<compile_context>
chip_gen: v7x
topology: tpu7x:2x2x1
jax: 0.10.2.dev20260603
libtpu: 0.0.44.dev20260713+nightly
codegen_flags: <defaults>
</compile_context>

<pallas_src>
import jax
import jax.numpy as jnp
from jax import lax
from jax.experimental import pallas as pl
from jax.experimental.pallas import tpu as pltpu
from jax.experimental.pallas import tpu_sc as plsc

NUM_SEGS = 10000
SEGS_PAD = 10240
ROWS = 160000
D = 256
HALF = 128
CHUNK = 80
N_SUB = 16
LANES = 16
ROWS_PER_SUB = ROWS // N_SUB
CHUNKS = ROWS_PER_SUB // CHUNK
SEGS_PER_SUB = SEGS_PAD // N_SUB
SB = 128
SBLOCKS = SEGS_PER_SUB // SB
CROWS = SEGS_PAD // HALF


def _pool_mean_sc(feats_hbm, batch_hbm, out_hbm, acc_sh, cnt_sh, idx_v,
                  rows_v, cnt_local, idrow_v, seg_v, cnt_v, inv_v):
    cid = lax.axis_index("c")
    sid = lax.axis_index("s")
    col0 = cid * HALF

    def zero_seg_row(i, carry):
        for v in range(HALF // LANES):
            seg_v[i, pl.ds(v * LANES, LANES)] = jnp.zeros((LANES,), jnp.float32)
        return carry

    lax.fori_loop(0, SB, zero_seg_row, 0)

    def zero_cnt_row(i, carry):
        for v in range(HALF // LANES):
            cnt_local[i, pl.ds(v * LANES, LANES)] = jnp.zeros(
                (LANES,), jnp.float32)
        return carry

    lax.fori_loop(0, CROWS, zero_cnt_row, 0)

    for k in range(CROWS // LANES):
        idrow_v[pl.ds(k * LANES, LANES)] = (
            lax.iota(jnp.int32, LANES) + k * LANES)

    for b in range(SBLOCKS):
        pltpu.sync_copy(seg_v, acc_sh.at[pl.ds(sid * SEGS_PER_SUB + b * SB, SB)])

    @pl.when(sid == 0)
    def _():
        pltpu.sync_copy(cnt_local, cnt_sh)

    plsc.subcore_barrier()

    row_base = sid * ROWS_PER_SUB
    ones16 = jnp.ones((LANES,), jnp.float32)

    def chunk_body(j, carry):
        base = row_base + j * CHUNK
        pltpu.sync_copy(batch_hbm.at[pl.ds(base, CHUNK)], idx_v)
        pltpu.sync_copy(feats_hbm.at[pl.ds(base, CHUNK), pl.ds(col0, HALF)],
                        rows_v)
        pltpu.sync_copy(rows_v, acc_sh.at[idx_v], add=True)
        for k in range(CHUNK // LANES):
            seg = idx_v[pl.ds(k * LANES, LANES)]
            row = lax.shift_right_logical(seg, jnp.full((LANES,), 7, jnp.int32))
            col = lax.bitwise_and(seg, jnp.full((LANES,), HALF - 1, jnp.int32))
            plsc.addupdate_scatter(cnt_local, [row, col], ones16)
        return carry

    lax.fori_loop(0, CHUNKS, chunk_body, 0)

    pltpu.sync_copy(cnt_local, cnt_sh.at[idrow_v], add=True)
    plsc.subcore_barrier()

    for b in range(SBLOCKS):
        seg0 = sid * SEGS_PER_SUB + b * SB
        crow = sid * SBLOCKS + b
        pltpu.sync_copy(acc_sh.at[pl.ds(seg0, SB)], seg_v)
        pltpu.sync_copy(cnt_sh.at[crow], cnt_v)

        for k in range(HALF // LANES):
            c = cnt_v[pl.ds(k * LANES, LANES)]
            inv_v[pl.ds(k * LANES, LANES)] = 1.0 / jnp.maximum(c, 1.0)

        def mean_row(i, carry):
            iv = plsc.load_gather(inv_v, [jnp.full((LANES,), i, jnp.int32)])
            for v in range(HALF // LANES):
                seg_v[i, pl.ds(v * LANES, LANES)] = (
                    seg_v[i, pl.ds(v * LANES, LANES)] * iv)
            return carry

        lax.fori_loop(0, SB, mean_row, 0)
        pltpu.sync_copy(seg_v, out_hbm.at[pl.ds(seg0, SB), pl.ds(col0, HALF)])


@jax.jit
def kernel(feats, batch):
    batch = batch.astype(jnp.int32)
    mesh = plsc.VectorSubcoreMesh(core_axis_name="c", subcore_axis_name="s")
    fn = pl.kernel(
        _pool_mean_sc,
        mesh=mesh,
        compiler_params=pltpu.CompilerParams(needs_layout_passes=False),
        out_type=jax.ShapeDtypeStruct((SEGS_PAD, D), jnp.float32),
        scratch_types=[
            pltpu.VMEM_SHARED((SEGS_PAD, HALF), jnp.float32),
            pltpu.VMEM_SHARED((CROWS, HALF), jnp.float32),
            pltpu.VMEM((CHUNK,), jnp.int32),
            pltpu.VMEM((CHUNK, HALF), jnp.float32),
            pltpu.VMEM((CROWS, HALF), jnp.float32),
            pltpu.VMEM((CROWS,), jnp.int32),
            pltpu.VMEM((SB, HALF), jnp.float32),
            pltpu.VMEM((HALF,), jnp.float32),
            pltpu.VMEM((HALF,), jnp.float32),
        ],
    )
    return fn(feats, batch)[:NUM_SEGS]

# --- scband reference (transcript-rebuilt; emitter-appended) ---
"""Pipeline reference for scband-pool-mean-6871947674132 (READ-ONLY COPY).

The authoritative reference and input builder live on the scoring server;
editing this copy changes nothing except your own understanding.
"""

import jax, jax.numpy as jnp
import numpy as np

NUM_SEGMENTS = 10000

def setup_inputs(seed: int = 0) -> dict:
    key = jax.random.key(seed)
    k1, k2 = jax.random.split(key)
    feats = jax.random.normal(k1, (160000, 256), dtype=jnp.float32)
    batch = jnp.sort(jax.random.randint(k2, (160000,), 0, NUM_SEGMENTS, dtype=jnp.int64))
    return {"feats": feats, "batch": batch}

def reference(feats, batch):
    # scatter_mean(feats, batch, dim=0): segment-wise mean over dim 0
    sums = jax.ops.segment_sum(feats, batch, num_segments=NUM_SEGMENTS)
    counts = jax.ops.segment_sum(jnp.ones((feats.shape[0],), dtype=feats.dtype), batch, num_segments=NUM_SEGMENTS)
    counts = jnp.clip(counts, 1.0, None)
    mean = sums / counts[:, None]
    return mean

if __name__ == "__main__":
    import jax
    _d = setup_inputs()
    print(jax.jit(kernel)(*tuple(_d.values())))

</pallas_src>

<mosaic_0001>
#map = affine_map<(d0, d1) -> (0, 0)>
#map1 = affine_map<(d0, d1) -> (0)>
module attributes {stable_mosaic.version = 14 : i64} {
  func.func @_pool_mean_sc(%arg0: i32, %arg1: i32, %arg2: memref<160000x256xf32, #tpu.memory_space<hbm>>, %arg3: memref<160000xi32, #tpu.memory_space<hbm>>, %arg4: memref<10240x256xf32, #tpu.memory_space<hbm>>, %arg5: memref<10240x128xf32, #tpu.memory_space<vmem_shared>>, %arg6: memref<80x128xf32, #tpu.memory_space<vmem_shared>>, %arg7: memref<80xi32, #tpu.memory_space<vmem>>, %arg8: memref<80x128xf32, #tpu.memory_space<vmem>>, %arg9: memref<80x128xf32, #tpu.memory_space<vmem>>, %arg10: memref<80xi32, #tpu.memory_space<vmem>>, %arg11: memref<128x128xf32, #tpu.memory_space<vmem>>, %arg12: memref<128xf32, #tpu.memory_space<vmem>>, %arg13: memref<128xf32, #tpu.memory_space<vmem>>) attributes {dimension_semantics = [#tpu.dimension_semantics<core_parallel>, #tpu.dimension_semantics<subcore_parallel>], iteration_bounds = array<i64: 2, 16>, scalar_prefetch = 0 : i64, scratch_operands = 9 : i64, tpu.core_type = #tpu.core_type<sc_vector_subcore>, window_params = [{transform_indices = #map}, {transform_indices = #map1}, {transform_indices = #map}]} {
    %mul3A = arith.constant 128 : i32
    %mul3A_0 = arith.muli %arg0, %mul3A : i32
    %scan3A = arith.constant 0 : i32
    %scan3A_1 = arith.constant 0 : i32
    %scan3A_2 = arith.constant 128 : i32
    %scan3A_3 = arith.addi %scan3A_1, %scan3A_2 : i32
    %scan3A_4 = arith.constant 1 : i32
    scf.for %scan3A_538 = %scan3A_1 to %scan3A_3 step %scan3A_4  : i32 {
      %broadcast_in_dim3A_539 = arith.constant 0.000000e+00 : f32
      %broadcast_in_dim3A_540 = vector.broadcast %broadcast_in_dim3A_539 : f32 to vector<16xf32>
      %swap3A_541 = arith.index_cast %scan3A_538 : i32 to index
      %swap3A_542 = arith.constant 0 : index
      %swap3A_543 = tpu.vector_load %arg11[%swap3A_541, %swap3A_542] {strides = array<i32>} : memref<128x128xf32, #tpu.memory_space<vmem>>, vector<16xf32>,
      tpu.vector_store %arg11[%swap3A_541, %swap3A_542], %broadcast_in_dim3A_540 {strides = array<i32>} : memref<128x128xf32, #tpu.memory_space<vmem>>, vector<16xf32>,
      %broadcast_in_dim3A_544 = arith.constant 0.000000e+00 : f32
      %broadcast_in_dim3A_545 = vector.broadcast %broadcast_in_dim3A_544 : f32 to vector<16xf32>
      %swap3A_546 = arith.index_cast %scan3A_538 : i32 to index
      %swap3A_547 = arith.constant 16 : index
      %swap3A_548 = tpu.vector_load %arg11[%swap3A_546, %swap3A_547] {strides = array<i32>} : memref<128x128xf32, #tpu.memory_space<vmem>>, vector<16xf32>,
      tpu.vector_store %arg11[%swap3A_546, %swap3A_547], %broadcast_in_dim3A_545 {strides = array<i32>} : memref<128x128xf32, #tpu.memory_space<vmem>>, vector<16xf32>,
      %broadcast_in_dim3A_549 = arith.constant 0.000000e+00 : f32
      %broadcast_in_dim3A_550 = vector.broadcast %broadcast_in_dim3A_549 : f32 to vector<16xf32>
      %swap3A_551 = arith.index_cast %scan3A_538 : i32 to index
      %swap3A_552 = arith.constant 32 : index
      %swap3A_553 = tpu.vector_load %arg11[%swap3A_551, %swap3A_552] {strides = array<i32>} : memref<128x128xf32, #tpu.memory_space<vmem>>, vector<16xf32>,
      tpu.vector_store %arg11[%swap3A_551, %swap3A_552], %broadcast_in_dim3A_550 {strides = array<i32>} : memref<128x128xf32, #tpu.memory_space<vmem>>, vector<16xf32>,
      %broadcast_in_dim3A_554 = arith.constant 0.000000e+00 : f32
      %broadcast_in_dim3A_555 = vector.broadcast %broadcast_in_dim3A_554 : f32 to vector<16xf32>
      %swap3A_556 = arith.index_cast %scan3A_538 : i32 to index
      %swap3A_557 = arith.constant 48 : index
      %swap3A_558 = tpu.vector_load %arg11[%swap3A_556, %swap3A_557] {strides = array<i32>} : memref<128x128xf32, #tpu.memory_space<vmem>>, vector<16xf32>,
      tpu.vector_store %arg11[%swap3A_556, %swap3A_557], %broadcast_in_dim3A_555 {strides = array<i32>} : memref<128x128xf32, #tpu.memory_space<vmem>>, vector<16xf32>,
      %broadcast_in_dim3A_559 = arith.constant 0.000000e+00 : f32
      %broadcast_in_dim3A_560 = vector.broadcast %broadcast_in_dim3A_559 : f32 to vector<16xf32>
      %swap3A_561 = arith.index_cast %scan3A_538 : i32 to index
      %swap3A_562 = arith.constant 64 : index
      %swap3A_563 = tpu.vector_load %arg11[%swap3A_561, %swap3A_562] {strides = array<i32>} : memref<128x128xf32, #tpu.memory_space<vmem>>, vector<16xf32>,
      tpu.vector_store %arg11[%swap3A_561, %swap3A_562], %broadcast_in_dim3A_560 {strides = array<i32>} : memref<128x128xf32, #tpu.memory_space<vmem>>, vector<16xf32>,
      %broadcast_in_dim3A_564 = arith.constant 0.000000e+00 : f32
      %broadcast_in_dim3A_565 = vector.broadcast %broadcast_in_dim3A_564 : f32 to vector<16xf32>
      %swap3A_566 = arith.index_cast %scan3A_538 : i32 to index
      %swap3A_567 = arith.constant 80 : index
      %swap3A_568 = tpu.vector_load %arg11[%swap3A_566, %swap3A_567] {strides = array<i32>} : memref<128x128xf32, #tpu.memory_space<vmem>>, vector<16xf32>,
      tpu.vector_store %arg11[%swap3A_566, %swap3A_567], %broadcast_in_dim3A_565 {strides = array<i32>} : memref<128x128xf32, #tpu.memory_space<vmem>>, vector<16xf32>,
      %broadcast_in_dim3A_569 = arith.constant 0.000000e+00 : f32
      %broadcast_in_dim3A_570 = vector.broadcast %broadcast_in_dim3A_569 : f32 to vector<16xf32>
      %swap3A_571 = arith.index_cast %scan3A_538 : i32 to index
      %swap3A_572 = arith.constant 96 : index
      %swap3A_573 = tpu.vector_load %arg11[%swap3A_571, %swap3A_572] {strides = array<i32>} : memref<128x128xf32, #tpu.memory_space<vmem>>, vector<16xf32>,
      tpu.vector_store %arg11[%swap3A_571, %swap3A_572], %broadcast_in_dim3A_570 {strides = array<i32>} : memref<128x128xf32, #tpu.memory_space<vmem>>, vector<16xf32>,
      %broadcast_in_dim3A_574 = arith.constant 0.000000e+00 : f32
      %broadcast_in_dim3A_575 = vector.broadcast %broadcast_in_dim3A_574 : f32 to vector<16xf32>
      %swap3A_576 = arith.index_cast %scan3A_538 : i32 to index
      %swap3A_577 = arith.constant 112 : index
      %swap3A_578 = tpu.vector_load %arg11[%swap3A_576, %swap3A_577] {strides = array<i32>} : memref<128x128xf32, #tpu.memory_space<vmem>>, vector<16xf32>,
      tpu.vector_store %arg11[%swap3A_576, %swap3A_577], %broadcast_in_dim3A_575 {strides = array<i32>} : memref<128x128xf32, #tpu.memory_space<vmem>>, vector<16xf32>,
    }
    %scan3A_5 = arith.constant 128 : i32
    %scan3A_6 = arith.constant 0 : i32
    %scan3A_7 = arith.constant 0 : i32
    %scan3A_8 = arith.constant 80 : i32
    %scan3A_9 = arith.addi %scan3A_7, %scan3A_8 : i32
    %scan3A_10 = arith.constant 1 : i32
    scf.for %scan3A_538 = %scan3A_7 to %scan3A_9 step %scan3A_10  : i32 {
      %broadcast_in_dim3A_539 = arith.constant 0.000000e+00 : f32
      %broadcast_in_dim3A_540 = vector.broadcast %broadcast_in_dim3A_539 : f32 to vector<16xf32>
      %swap3A_541 = arith.index_cast %scan3A_538 : i32 to index
      %swap3A_542 = arith.constant 0 : index
      %swap3A_543 = tpu.vector_load %arg9[%swap3A_541, %swap3A_542] {strides = array<i32>} : memref<80x128xf32, #tpu.memory_space<vmem>>, vector<16xf32>,
      tpu.vector_store %arg9[%swap3A_541, %swap3A_542], %broadcast_in_dim3A_540 {strides = array<i32>} : memref<80x128xf32, #tpu.memory_space<vmem>>, vector<16xf32>,
      %broadcast_in_dim3A_544 = arith.constant 0.000000e+00 : f32
      %broadcast_in_dim3A_545 = vector.broadcast %broadcast_in_dim3A_544 : f32 to vector<16xf32>
      %swap3A_546 = arith.index_cast %scan3A_538 : i32 to index
      %swap3A_547 = arith.constant 16 : index
      %swap3A_548 = tpu.vector_load %arg9[%swap3A_546, %swap3A_547] {strides = array<i32>} : memref<80x128xf32, #tpu.memory_space<vmem>>, vector<16xf32>,
      tpu.vector_store %arg9[%swap3A_546, %swap3A_547], %broadcast_in_dim3A_545 {strides = array<i32>} : memref<80x128xf32, #tpu.memory_space<vmem>>, vector<16xf32>,
      %broadcast_in_dim3A_549 = arith.constant 0.000000e+00 : f32
      %broadcast_in_dim3A_550 = vector.broadcast %broadcast_in_dim3A_549 : f32 to vector<16xf32>
      %swap3A_551 = arith.index_cast %scan3A_538 : i32 to index
      %swap3A_552 = arith.constant 32 : index
      %swap3A_553 = tpu.vector_load %arg9[%swap3A_551, %swap3A_552] {strides = array<i32>} : memref<80x128xf32, #tpu.memory_space<vmem>>, vector<16xf32>,
      tpu.vector_store %arg9[%swap3A_551, %swap3A_552], %broadcast_in_dim3A_550 {strides = array<i32>} : memref<80x128xf32, #tpu.memory_space<vmem>>, vector<16xf32>,
      %broadcast_in_dim3A_554 = arith.constant 0.000000e+00 : f32
      %broadcast_in_dim3A_555 = vector.broadcast %broadcast_in_dim3A_554 : f32 to vector<16xf32>
      %swap3A_556 = arith.index_cast %scan3A_538 : i32 to index
      %swap3A_557 = arith.constant 48 : index
      %swap3A_558 = tpu.vector_load %arg9[%swap3A_556, %swap3A_557] {strides = array<i32>} : memref<80x128xf32, #tpu.memory_space<vmem>>, vector<16xf32>,
      tpu.vector_store %arg9[%swap3A_556, %swap3A_557], %broadcast_in_dim3A_555 {strides = array<i32>} : memref<80x128xf32, #tpu.memory_space<vmem>>, vector<16xf32>,
      %broadcast_in_dim3A_559 = arith.constant 0.000000e+00 : f32
      %broadcast_in_dim3A_560 = vector.broadcast %broadcast_in_dim3A_559 : f32 to vector<16xf32>
      %swap3A_561 = arith.index_cast %scan3A_538 : i32 to index
      %swap3A_562 = arith.constant 64 : index
      %swap3A_563 = tpu.vector_load %arg9[%swap3A_561, %swap3A_562] {strides = array<i32>} : memref<80x128xf32, #tpu.memory_space<vmem>>, vector<16xf32>,
      tpu.vector_store %arg9[%swap3A_561, %swap3A_562], %broadcast_in_dim3A_560 {strides = array<i32>} : memref<80x128xf32, #tpu.memory_space<vmem>>, vector<16xf32>,
      %broadcast_in_dim3A_564 = arith.constant 0.000000e+00 : f32
      %broadcast_in_dim3A_565 = vector.broadcast %broadcast_in_dim3A_564 : f32 to vector<16xf32>
      %swap3A_566 = arith.index_cast %scan3A_538 : i32 to index
      %swap3A_567 = arith.constant 80 : index
      %swap3A_568 = tpu.vector_load %arg9[%swap3A_566, %swap3A_567] {strides = array<i32>} : memref<80x128xf32, #tpu.memory_space<vmem>>, vector<16xf32>,
      tpu.vector_store %arg9[%swap3A_566, %swap3A_567], %broadcast_in_dim3A_565 {strides = array<i32>} : memref<80x128xf32, #tpu.memory_space<vmem>>, vector<16xf32>,
      %broadcast_in_dim3A_569 = arith.constant 0.000000e+00 : f32
      %broadcast_in_dim3A_570 = vector.broadcast %broadcast_in_dim3A_569 : f32 to vector<16xf32>
      %swap3A_571 = arith.index_cast %scan3A_538 : i32 to index
      %swap3A_572 = arith.constant 96 : index
      %swap3A_573 = tpu.vector_load %arg9[%swap3A_571, %swap3A_572] {strides = array<i32>} : memref<80x128xf32, #tpu.memory_space<vmem>>, vector<16xf32>,
      tpu.vector_store %arg9[%swap3A_571, %swap3A_572], %broadcast_in_dim3A_570 {strides = array<i32>} : memref<80x128xf32, #tpu.memory_space<vmem>>, vector<16xf32>,
      %broadcast_in_dim3A_574 = arith.constant 0.000000e+00 : f32
      %broadcast_in_dim3A_575 = vector.broadcast %broadcast_in_dim3A_574 : f32 to vector<16xf32>
      %swap3A_576 = arith.index_cast %scan3A_538 : i32 to index
      %swap3A_577 = arith.constant 112 : index
      %swap3A_578 = tpu.vector_load %arg9[%swap3A_576, %swap3A_577] {strides = array<i32>} : memref<80x128xf32, #tpu.memory_space<vmem>>, vector<16xf32>,
      tpu.vector_store %arg9[%swap3A_576, %swap3A_577], %broadcast_in_dim3A_575 {strides = array<i32>} : memref<80x128xf32, #tpu.memory_space<vmem>>, vector<16xf32>,
    }
    %scan3A_11 = arith.constant 80 : i32
    %iota3A = tpu.iota {dimensions = array<i32: 0>} : vector<16xi32>
    %add3A = arith.constant 0 : i32
    %add3A_12 = vector.broadcast %add3A : i32 to vector<16xi32>
    %add3A_13 = arith.addi %iota3A, %add3A_12 : vector<16xi32>
    %swap3A = arith.constant 0 : index
    %swap3A_14 = tpu.vector_load %arg10[%swap3A] {strides = array<i32>} : memref<80xi32, #tpu.memory_space<vmem>>, vector<16xi32>,
    tpu.vector_store %arg10[%swap3A], %add3A_13 {strides = array<i32>} : memref<80xi32, #tpu.memory_space<vmem>>, vector<16xi32>,
    %iota3A_15 = tpu.iota {dimensions = array<i32: 0>} : vector<16xi32>
    %add3A_16 = arith.constant 16 : i32
    %add3A_17 = vector.broadcast %add3A_16 : i32 to vector<16xi32>
    %add3A_18 = arith.addi %iota3A_15, %add3A_17 : vector<16xi32>
    %swap3A_19 = arith.constant 16 : index
    %swap3A_20 = tpu.vector_load %arg10[%swap3A_19] {strides = array<i32>} : memref<80xi32, #tpu.memory_space<vmem>>, vector<16xi32>,
    tpu.vector_store %arg10[%swap3A_19], %add3A_18 {strides = array<i32>} : memref<80xi32, #tpu.memory_space<vmem>>, vector<16xi32>,
    %iota3A_21 = tpu.iota {dimensions = array<i32: 0>} : vector<16xi32>
    %add3A_22 = arith.constant 32 : i32
    %add3A_23 = vector.broadcast %add3A_22 : i32 to vector<16xi32>
    %add3A_24 = arith.addi %iota3A_21, %add3A_23 : vector<16xi32>
    %swap3A_25 = arith.constant 32 : index
    %swap3A_26 = tpu.vector_load %arg10[%swap3A_25] {strides = array<i32>} : memref<80xi32, #tpu.memory_space<vmem>>, vector<16xi32>,
    tpu.vector_store %arg10[%swap3A_25], %add3A_24 {strides = array<i32>} : memref<80xi32, #tpu.memory_space<vmem>>, vector<16xi32>,
    %iota3A_27 = tpu.iota {dimensions = array<i32: 0>} : vector<16xi32>
    %add3A_28 = arith.constant 48 : i32
    %add3A_29 = vector.broadcast %add3A_28 : i32 to vector<16xi32>
    %add3A_30 = arith.addi %iota3A_27, %add3A_29 : vector<16xi32>
    %swap3A_31 = arith.constant 48 : index
    %swap3A_32 = tpu.vector_load %arg10[%swap3A_31] {strides = array<i32>} : memref<80xi32, #tpu.memory_space<vmem>>, vector<16xi32>,
    tpu.vector_store %arg10[%swap3A_31], %add3A_30 {strides = array<i32>} : memref<80xi32, #tpu.memory_space<vmem>>, vector<16xi32>,
    %iota3A_33 = tpu.iota {dimensions = array<i32: 0>} : vector<16xi32>
    %add3A_34 = arith.constant 64 : i32
    %add3A_35 = vector.broadcast %add3A_34 : i32 to vector<16xi32>
    %add3A_36 = arith.addi %iota3A_33, %add3A_35 : vector<16xi32>
    %swap3A_37 = arith.constant 64 : index
    %swap3A_38 = tpu.vector_load %arg10[%swap3A_37] {strides = array<i32>} : memref<80xi32, #tpu.memory_space<vmem>>, vector<16xi32>,
    tpu.vector_store %arg10[%swap3A_37], %add3A_36 {strides = array<i32>} : memref<80xi32, #tpu.memory_space<vmem>>, vector<16xi32>,
    %mul3A_39 = arith.constant 640 : i32
    %mul3A_40 = arith.muli %arg1, %mul3A_39 : i32
    %add3A_41 = arith.constant 0 : i32
    %add3A_42 = arith.addi %mul3A_40, %add3A_41 : i32
    "tpu.region"() ({
      %run_scoped3A = tpu.sem_alloc : memref<!tpu.dma_semaphore, #tpu.memory_space<semaphore_mem>>
      %dma_start3A = arith.constant 0 : i32
      %dma_start3A_538 = tpu.memref_slice %arg5[%add3A_42, %dma_start3A] : memref<10240x128xf32, #tpu.memory_space<vmem_shared>> -> memref<128x128xf32, #tpu.memory_space<vmem_shared>>
      %dma_start3A_539 = arith.constant 0 : i32
      %dma_start3A_540 = tpu.memref_slice %arg5[%add3A_42, %dma_start3A_539] : memref<10240x128xf32, #tpu.memory_space<vmem_shared>> -> memref<128x128xf32, #tpu.memory_space<vmem_shared>>
      tpu.enqueue_dma source(%arg11 : memref<128x128xf32, #tpu.memory_space<vmem>>) target(%dma_start3A_540 : memref<128x128xf32, #tpu.memory_space<vmem_shared>>) target_semaphore(%run_scoped3A : memref<!tpu.dma_semaphore, #tpu.memory_space<semaphore_mem>>)
      %dma_wait3A = arith.constant 0 : i32
      %dma_wait3A_541 = tpu.memref_slice %arg5[%add3A_42, %dma_wait3A] : memref<10240x128xf32, #tpu.memory_space<vmem_shared>> -> memref<128x128xf32, #tpu.memory_space<vmem_shared>>
      %dma_wait3A_542 = arith.constant 0 : i32
      %dma_wait3A_543 = tpu.memref_slice %arg5[%add3A_42, %dma_wait3A_542] : memref<10240x128xf32, #tpu.memory_space<vmem_shared>> -> memref<128x128xf32, #tpu.memory_space<vmem_shared>>
      tpu.wait_dma2 semaphore(%run_scoped3A : memref<!tpu.dma_semaphore, #tpu.memory_space<semaphore_mem>>) src(%arg11 : memref<128x128xf32, #tpu.memory_space<vmem>>) dst(%dma_wait3A_543 : memref<128x128xf32, #tpu.memory_space<vmem_shared>>)
      tpu.yield
    }) : () -> ()
    %mul3A_43 = arith.constant 640 : i32
    %mul3A_44 = arith.muli %arg1, %mul3A_43 : i32
    %add3A_45 = arith.constant 128 : i32
    %add3A_46 = arith.addi %mul3A_44, %add3A_45 : i32
    "tpu.region"() ({
      %run_scoped3A = tpu.sem_alloc : memref<!tpu.dma_semaphore, #tpu.memory_space<semaphore_mem>>
      %dma_start3A = arith.constant 0 : i32
      %dma_start3A_538 = tpu.memref_slice %arg5[%add3A_46, %dma_start3A] : memref<10240x128xf32, #tpu.memory_space<vmem_shared>> -> memref<128x128xf32, #tpu.memory_space<vmem_shared>>
      %dma_start3A_539 = arith.constant 0 : i32
      %dma_start3A_540 = tpu.memref_slice %arg5[%add3A_46, %dma_start3A_539] : memref<10240x128xf32, #tpu.memory_space<vmem_shared>> -> memref<128x128xf32, #tpu.memory_space<vmem_shared>>
      tpu.enqueue_dma source(%arg11 : memref<128x128xf32, #tpu.memory_space<vmem>>) target(%dma_start3A_540 : memref<128x128xf32, #tpu.memory_space<vmem_shared>>) target_semaphore(%run_scoped3A : memref<!tpu.dma_semaphore, #tpu.memory_space<semaphore_mem>>)
      %dma_wait3A = arith.constant 0 : i32
      %dma_wait3A_541 = tpu.memref_slice %arg5[%add3A_46, %dma_wait3A] : memref<10240x128xf32, #tpu.memory_space<vmem_shared>> -> memref<128x128xf32, #tpu.memory_space<vmem_shared>>
      %dma_wait3A_542 = arith.constant 0 : i32
      %dma_wait3A_543 = tpu.memref_slice %arg5[%add3A_46, %dma_wait3A_542] : memref<10240x128xf32, #tpu.memory_space<vmem_shared>> -> memref<128x128xf32, #tpu.memory_space<vmem_shared>>
      tpu.wait_dma2 semaphore(%run_scoped3A : memref<!tpu.dma_semaphore, #tpu.memory_space<semaphore_mem>>) src(%arg11 : memref<128x128xf32, #tpu.memory_space<vmem>>) dst(%dma_wait3A_543 : memref<128x128xf32, #tpu.memory_space<vmem_shared>>)
      tpu.yield
    }) : () -> ()
    %mul3A_47 = arith.constant 640 : i32
    %mul3A_48 = arith.muli %arg1, %mul3A_47 : i32
    %add3A_49 = arith.constant 256 : i32
    %add3A_50 = arith.addi %mul3A_48, %add3A_49 : i32
    "tpu.region"() ({
      %run_scoped3A = tpu.sem_alloc : memref<!tpu.dma_semaphore, #tpu.memory_space<semaphore_mem>>
      %dma_start3A = arith.constant 0 : i32
      %dma_start3A_538 = tpu.memref_slice %arg5[%add3A_50, %dma_start3A] : memref<10240x128xf32, #tpu.memory_space<vmem_shared>> -> memref<128x128xf32, #tpu.memory_space<vmem_shared>>
      %dma_start3A_539 = arith.constant 0 : i32
      %dma_start3A_540 = tpu.memref_slice %arg5[%add3A_50, %dma_start3A_539] : memref<10240x128xf32, #tpu.memory_space<vmem_shared>> -> memref<128x128xf32, #tpu.memory_space<vmem_shared>>
      tpu.enqueue_dma source(%arg11 : memref<128x128xf32, #tpu.memory_space<vmem>>) target(%dma_start3A_540 : memref<128x128xf32, #tpu.memory_space<vmem_shared>>) target_semaphore(%run_scoped3A : memref<!tpu.dma_semaphore, #tpu.memory_space<semaphore_mem>>)
      %dma_wait3A = arith.constant 0 : i32
      %dma_wait3A_541 = tpu.memref_slice %arg5[%add3A_50, %dma_wait3A] : memref<10240x128xf32, #tpu.memory_space<vmem_shared>> -> memref<128x128xf32, #tpu.memory_space<vmem_shared>>
      %dma_wait3A_542 = arith.constant 0 : i32
      %dma_wait3A_543 = tpu.memref_slice %arg5[%add3A_50, %dma_wait3A_542] : memref<10240x128xf32, #tpu.memory_space<vmem_shared>> -> memref<128x128xf32, #tpu.memory_space<vmem_shared>>
      tpu.wait_dma2 semaphore(%run_scoped3A : memref<!tpu.dma_semaphore, #tpu.memory_space<semaphore_mem>>) src(%arg11 : memref<128x128xf32, #tpu.memory_space<vmem>>) dst(%dma_wait3A_543 : memref<128x128xf32, #tpu.memory_space<vmem_shared>>)
      tpu.yield
    }) : () -> ()
    %mul3A_51 = arith.constant 640 : i32
    %mul3A_52 = arith.muli %arg1, %mul3A_51 : i32
    %add3A_53 = arith.constant 384 : i32
    %add3A_54 = arith.addi %mul3A_52, %add3A_53 : i32
    "tpu.region"() ({
      %run_scoped3A = tpu.sem_alloc : memref<!tpu.dma_semaphore, #tpu.memory_space<semaphore_mem>>
      %dma_start3A = arith.constant 0 : i32
      %dma_start3A_538 = tpu.memref_slice %arg5[%add3A_54, %dma_start3A] : memref<10240x128xf32, #tpu.memory_space<vmem_shared>> -> memref<128x128xf32, #tpu.memory_space<vmem_shared>>
      %dma_start3A_539 = arith.constant 0 : i32
      %dma_start3A_540 = tpu.memref_slice %arg5[%add3A_54, %dma_start3A_539] : memref<10240x128xf32, #tpu.memory_space<vmem_shared>> -> memref<128x128xf32, #tpu.memory_space<vmem_shared>>
      tpu.enqueue_dma source(%arg11 : memref<128x128xf32, #tpu.memory_space<vmem>>) target(%dma_start3A_540 : memref<128x128xf32, #tpu.memory_space<vmem_shared>>) target_semaphore(%run_scoped3A : memref<!tpu.dma_semaphore, #tpu.memory_space<semaphore_mem>>)
      %dma_wait3A = arith.constant 0 : i32
      %dma_wait3A_541 = tpu.memref_slice %arg5[%add3A_54, %dma_wait3A] : memref<10240x128xf32, #tpu.memory_space<vmem_shared>> -> memref<128x128xf32, #tpu.memory_space<vmem_shared>>
      %dma_wait3A_542 = arith.constant 0 : i32
      %dma_wait3A_543 = tpu.memref_slice %arg5[%add3A_54, %dma_wait3A_542] : memref<10240x128xf32, #tpu.memory_space<vmem_shared>> -> memref<128x128xf32, #tpu.memory_space<vmem_shared>>
      tpu.wait_dma2 semaphore(%run_scoped3A : memref<!tpu.dma_semaphore, #tpu.memory_space<semaphore_mem>>) src(%arg11 : memref<128x128xf32, #tpu.memory_space<vmem>>) dst(%dma_wait3A_543 : memref<128x128xf32, #tpu.memory_space<vmem_shared>>)
      tpu.yield
    }) : () -> ()
    %mul3A_55 = arith.constant 640 : i32
    %mul3A_56 = arith.muli %arg1, %mul3A_55 : i32
    %add3A_57 = arith.constant 512 : i32
    %add3A_58 = arith.addi %mul3A_56, %add3A_57 : i32
    "tpu.region"() ({
      %run_scoped3A = tpu.sem_alloc : memref<!tpu.dma_semaphore, #tpu.memory_space<semaphore_mem>>
      %dma_start3A = arith.constant 0 : i32
      %dma_start3A_538 = tpu.memref_slice %arg5[%add3A_58, %dma_start3A] : memref<10240x128xf32, #tpu.memory_space<vmem_shared>> -> memref<128x128xf32, #tpu.memory_space<vmem_shared>>
      %dma_start3A_539 = arith.constant 0 : i32
      %dma_start3A_540 = tpu.memref_slice %arg5[%add3A_58, %dma_start3A_539] : memref<10240x128xf32, #tpu.memory_space<vmem_shared>> -> memref<128x128xf32, #tpu.memory_space<vmem_shared>>
      tpu.enqueue_dma source(%arg11 : memref<128x128xf32, #tpu.memory_space<vmem>>) target(%dma_start3A_540 : memref<128x128xf32, #tpu.memory_space<vmem_shared>>) target_semaphore(%run_scoped3A : memref<!tpu.dma_semaphore, #tpu.memory_space<semaphore_mem>>)
      %dma_wait3A = arith.constant 0 : i32
      %dma_wait3A_541 = tpu.memref_slice %arg5[%add3A_58, %dma_wait3A] : memref<10240x128xf32, #tpu.memory_space<vmem_shared>> -> memref<128x128xf32, #tpu.memory_space<vmem_shared>>
      %dma_wait3A_542 = arith.constant 0 : i32
      %dma_wait3A_543 = tpu.memref_slice %arg5[%add3A_58, %dma_wait3A_542] : memref<10240x128xf32, #tpu.memory_space<vmem_shared>> -> memref<128x128xf32, #tpu.memory_space<vmem_shared>>
      tpu.wait_dma2 semaphore(%run_scoped3A : memref<!tpu.dma_semaphore, #tpu.memory_space<semaphore_mem>>) src(%arg11 : memref<128x128xf32, #tpu.memory_space<vmem>>) dst(%dma_wait3A_543 : memref<128x128xf32, #tpu.memory_space<vmem_shared>>)
      tpu.yield
    }) : () -> ()
    %eq3A = arith.constant 0 : i32
    %eq3A_59 = arith.cmpi eq, %arg1, %eq3A : i32
    %convert_element_type3A = arith.extui %eq3A_59 : i1 to i32
    %cond3A = arith.constant 0 : i32
    %cond3A_60 = arith.cmpi ne, %convert_element_type3A, %cond3A : i32
    scf.if %cond3A_60 {
      "tpu.region"() ({
        %run_scoped3A = tpu.sem_alloc : memref<!tpu.dma_semaphore, #tpu.memory_space<semaphore_mem>>
        tpu.enqueue_dma source(%arg9 : memref<80x128xf32, #tpu.memory_space<vmem>>) target(%arg6 : memref<80x128xf32, #tpu.memory_space<vmem_shared>>) target_semaphore(%run_scoped3A : memref<!tpu.dma_semaphore, #tpu.memory_space<semaphore_mem>>)
        tpu.wait_dma2 semaphore(%run_scoped3A : memref<!tpu.dma_semaphore, #tpu.memory_space<semaphore_mem>>) src(%arg9 : memref<80x128xf32, #tpu.memory_space<vmem>>) dst(%arg6 : memref<80x128xf32, #tpu.memory_space<vmem_shared>>)
        tpu.yield
      }) : () -> ()
    } else {
    }
    %barrier3A = arith.constant 0 : index
    tpu.barrier barrier_id(%barrier3A)
    %mul3A_61 = arith.constant 10000 : i32
    %mul3A_62 = arith.muli %arg1, %mul3A_61 : i32
    %broadcast_in_dim3A = arith.constant 1.000000e+00 : f32
    %broadcast_in_dim3A_63 = vector.broadcast %broadcast_in_dim3A : f32 to vector<16xf32>
    %scan3A_64 = arith.constant 0 : i32
    %scan3A_65 = arith.constant 0 : i32
    %scan3A_66 = arith.constant 125 : i32
    %scan3A_67 = arith.addi %scan3A_65, %scan3A_66 : i32
    %scan3A_68 = arith.constant 1 : i32
    scf.for %scan3A_538 = %scan3A_65 to %scan3A_67 step %scan3A_68  : i32 {
      %mul3A_539 = arith.constant 80 : i32
      %mul3A_540 = arith.muli %scan3A_538, %mul3A_539 : i32
      %add3A_541 = arith.addi %mul3A_62, %mul3A_540 : i32
      "tpu.region"() ({
        %run_scoped3A = tpu.sem_alloc : memref<!tpu.dma_semaphore, #tpu.memory_space<semaphore_mem>>
        %dma_start3A = tpu.memref_slice %arg3[%add3A_541] : memref<160000xi32, #tpu.memory_space<hbm>> -> memref<80xi32, #tpu.memory_space<hbm>>
        %dma_start3A_580 = tpu.memref_slice %arg3[%add3A_541] : memref<160000xi32, #tpu.memory_space<hbm>> -> memref<80xi32, #tpu.memory_space<hbm>>
        tpu.enqueue_dma source(%dma_start3A_580 : memref<80xi32, #tpu.memory_space<hbm>>) target(%arg7 : memref<80xi32, #tpu.memory_space<vmem>>) target_semaphore(%run_scoped3A : memref<!tpu.dma_semaphore, #tpu.memory_space<semaphore_mem>>)
        %dma_wait3A = tpu.memref_slice %arg3[%add3A_541] : memref<160000xi32, #tpu.memory_space<hbm>> -> memref<80xi32, #tpu.memory_space<hbm>>
        %dma_wait3A_581 = tpu.memref_slice %arg3[%add3A_541] : memref<160000xi32, #tpu.memory_space<hbm>> -> memref<80xi32, #tpu.memory_space<hbm>>
        tpu.wait_dma2 semaphore(%run_scoped3A : memref<!tpu.dma_semaphore, #tpu.memory_space<semaphore_mem>>) src(%dma_wait3A_581 : memref<80xi32, #tpu.memory_space<hbm>>) dst(%arg7 : memref<80xi32, #tpu.memory_space<vmem>>)
        tpu.yield
      }) : () -> ()
      "tpu.region"() ({
        %run_scoped3A = tpu.sem_alloc : memref<!tpu.dma_semaphore, #tpu.memory_space<semaphore_mem>>
        %dma_start3A = tpu.memref_slice %arg2[%add3A_541, %mul3A_0] : memref<160000x256xf32, #tpu.memory_space<hbm>> -> memref<80x128xf32, #tpu.memory_space<hbm>>
        %dma_start3A_580 = tpu.memref_slice %arg2[%add3A_541, %mul3A_0] : memref<160000x256xf32, #tpu.memory_space<hbm>> -> memref<80x128xf32, #tpu.memory_space<hbm>>
        tpu.enqueue_dma source(%dma_start3A_580 : memref<80x128xf32, #tpu.memory_space<hbm>>) target(%arg8 : memref<80x128xf32, #tpu.memory_space<vmem>>) target_semaphore(%run_scoped3A : memref<!tpu.dma_semaphore, #tpu.memory_space<semaphore_mem>>)
        %dma_wait3A = tpu.memref_slice %arg2[%add3A_541, %mul3A_0] : memref<160000x256xf32, #tpu.memory_space<hbm>> -> memref<80x128xf32, #tpu.memory_space<hbm>>
        %dma_wait3A_581 = tpu.memref_slice %arg2[%add3A_541, %mul3A_0] : memref<160000x256xf32, #tpu.memory_space<hbm>> -> memref<80x128xf32, #tpu.memory_space<hbm>>
        tpu.wait_dma2 semaphore(%run_scoped3A : memref<!tpu.dma_semaphore, #tpu.memory_space<semaphore_mem>>) src(%dma_wait3A_581 : memref<80x128xf32, #tpu.memory_space<hbm>>) dst(%arg8 : memref<80x128xf32, #tpu.memory_space<vmem>>)
        tpu.yield
      }) : () -> ()
      "tpu.region"() ({
        %run_scoped3A = tpu.sem_alloc : memref<!tpu.dma_semaphore, #tpu.memory_space<semaphore_mem>>
        %dma_start3A = arith.constant 0 : i32
        %dma_start3A_580 = arith.constant 0 : i32
        %dma_start3A_581 = tpu.memref_slice %arg5[%dma_start3A, %dma_start3A_580] : memref<10240x128xf32, #tpu.memory_space<vmem_shared>> -> memref<10240x128xf32, #tpu.memory_space<vmem_shared>>
        tpu.enqueue_indirect_dma source(%arg8 : memref<80x128xf32, #tpu.memory_space<vmem>>) target(%dma_start3A_581 : memref<10240x128xf32, #tpu.memory_space<vmem_shared>>) offsets(%arg7 : memref<80xi32, #tpu.memory_space<vmem>>) semaphore(%run_scoped3A : memref<!tpu.dma_semaphore, #tpu.memory_space<semaphore_mem>>) {add = true}
        %dma_wait3A = arith.constant 0 : i32
        %dma_wait3A_582 = arith.constant 0 : i32
        %dma_wait3A_583 = tpu.memref_slice %arg5[%dma_wait3A, %dma_wait3A_582] : memref<10240x128xf32, #tpu.memory_space<vmem_shared>> -> memref<10240x128xf32, #tpu.memory_space<vmem_shared>>
        tpu.wait_indirect_dma semaphore(%run_scoped3A : memref<!tpu.dma_semaphore, #tpu.memory_space<semaphore_mem>>) src(%arg8 : memref<80x128xf32, #tpu.memory_space<vmem>>) dst(%dma_wait3A_583 : memref<10240x128xf32, #tpu.memory_space<vmem_shared>>)
        tpu.yield
      }) : () -> ()
      %get3A_542 = arith.constant 0 : index
      %get3A_543 = tpu.vector_load %arg7[%get3A_542] {strides = array<i32>} : memref<80xi32, #tpu.memory_space<vmem>>, vector<16xi32>,
      %broadcast_in_dim3A_544 = arith.constant 7 : i32
      %broadcast_in_dim3A_545 = vector.broadcast %broadcast_in_dim3A_544 : i32 to vector<16xi32>
      %shift_right_logical3A = arith.shrui %get3A_543, %broadcast_in_dim3A_545 : vector<16xi32>
      %broadcast_in_dim3A_546 = arith.constant 127 : i32
      %broadcast_in_dim3A_547 = vector.broadcast %broadcast_in_dim3A_546 : i32 to vector<16xi32>
      %and3A = arith.andi %get3A_543, %broadcast_in_dim3A_547 : vector<16xi32>
      tpu.vector_store_idx %arg9[%shift_right_logical3A, %and3A], %broadcast_in_dim3A_63 {add = true} : memref<80x128xf32, #tpu.memory_space<vmem>>[vector<16xi32>, vector<16xi32>], vector<16xf32>,
      %get3A_548 = arith.constant 16 : index
      %get3A_549 = tpu.vector_load %arg7[%get3A_548] {strides = array<i32>} : memref<80xi32, #tpu.memory_space<vmem>>, vector<16xi32>,
      %broadcast_in_dim3A_550 = arith.constant 7 : i32
      %broadcast_in_dim3A_551 = vector.broadcast %broadcast_in_dim3A_550 : i32 to vector<16xi32>
      %shift_right_logical3A_552 = arith.shrui %get3A_549, %broadcast_in_dim3A_551 : vector<16xi32>
      %broadcast_in_dim3A_553 = arith.constant 127 : i32
      %broadcast_in_dim3A_554 = vector.broadcast %broadcast_in_dim3A_553 : i32 to vector<16xi32>
      %and3A_555 = arith.andi %get3A_549, %broadcast_in_dim3A_554 : vector<16xi32>
      tpu.vector_store_idx %arg9[%shift_right_logical3A_552, %and3A_555], %broadcast_in_dim3A_63 {add = true} : memref<80x128xf32, #tpu.memory_space<vmem>>[vector<16xi32>, vector<16xi32>], vector<16xf32>,
      %get3A_556 = arith.constant 32 : index
      %get3A_557 = tpu.vector_load %arg7[%get3A_556] {strides = array<i32>} : memref<80xi32, #tpu.memory_space<vmem>>, vector<16xi32>,
      %broadcast_in_dim3A_558 = arith.constant 7 : i32
      %broadcast_in_dim3A_559 = vector.broadcast %broadcast_in_dim3A_558 : i32 to vector<16xi32>
      %shift_right_logical3A_560 = arith.shrui %get3A_557, %broadcast_in_dim3A_559 : vector<16xi32>
      %broadcast_in_dim3A_561 = arith.constant 127 : i32
      %broadcast_in_dim3A_562 = vector.broadcast %broadcast_in_dim3A_561 : i32 to vector<16xi32>
      %and3A_563 = arith.andi %get3A_557, %broadcast_in_dim3A_562 : vector<16xi32>
      tpu.vector_store_idx %arg9[%shift_right_logical3A_560, %and3A_563], %broadcast_in_dim3A_63 {add = true} : memref<80x128xf32, #tpu.memory_space<vmem>>[vector<16xi32>, vector<16xi32>], vector<16xf32>,
      %get3A_564 = arith.constant 48 : index
      %get3A_565 = tpu.vector_load %arg7[%get3A_564] {strides = array<i32>} : memref<80xi32, #tpu.memory_space<vmem>>, vector<16xi32>,
      %broadcast_in_dim3A_566 = arith.constant 7 : i32
      %broadcast_in_dim3A_567 = vector.broadcast %broadcast_in_dim3A_566 : i32 to vector<16xi32>
      %shift_right_logical3A_568 = arith.shrui %get3A_565, %broadcast_in_dim3A_567 : vector<16xi32>
      %broadcast_in_dim3A_569 = arith.constant 127 : i32
      %broadcast_in_dim3A_570 = vector.broadcast %broadcast_in_dim3A_569 : i32 to vector<16xi32>
      %and3A_571 = arith.andi %get3A_565, %broadcast_in_dim3A_570 : vector<16xi32>
      tpu.vector_store_idx %arg9[%shift_right_logical3A_568, %and3A_571], %broadcast_in_dim3A_63 {add = true} : memref<80x128xf32, #tpu.memory_space<vmem>>[vector<16xi32>, vector<16xi32>], vector<16xf32>,
      %get3A_572 = arith.constant 64 : index
      %get3A_573 = tpu.vector_load %arg7[%get3A_572] {strides = array<i32>} : memref<80xi32, #tpu.memory_space<vmem>>, vector<16xi32>,
      %broadcast_in_dim3A_574 = arith.constant 7 : i32
      %broadcast_in_dim3A_575 = vector.broadcast %broadcast_in_dim3A_574 : i32 to vector<16xi32>
      %shift_right_logical3A_576 = arith.shrui %get3A_573, %broadcast_in_dim3A_575 : vector<16xi32>
      %broadcast_in_dim3A_577 = arith.constant 127 : i32
      %broadcast_in_dim3A_578 = vector.broadcast %broadcast_in_dim3A_577 : i32 to vector<16xi32>
      %and3A_579 = arith.andi %get3A_573, %broadcast_in_dim3A_578 : vector<16xi32>
      tpu.vector_store_idx %arg9[%shift_right_logical3A_576, %and3A_579], %broadcast_in_dim3A_63 {add = true} : memref<80x128xf32, #tpu.memory_space<vmem>>[vector<16xi32>, vector<16xi32>], vector<16xf32>,
    }
    %scan3A_69 = arith.constant 125 : i32
    "tpu.region"() ({
      %run_scoped3A = tpu.sem_alloc : memref<!tpu.dma_semaphore, #tpu.memory_space<semaphore_mem>>
      %dma_start3A = arith.constant 0 : i32
      %dma_start3A_538 = arith.constant 0 : i32
      %dma_start3A_539 = tpu.memref_slice %arg6[%dma_start3A, %dma_start3A_538] : memref<80x128xf32, #tpu.memory_space<vmem_shared>> -> memref<80x128xf32, #tpu.memory_space<vmem_shared>>
      tpu.enqueue_indirect_dma source(%arg9 : memref<80x128xf32, #tpu.memory_space<vmem>>) target(%dma_start3A_539 : memref<80x128xf32, #tpu.memory_space<vmem_shared>>) offsets(%arg10 : memref<80xi32, #tpu.memory_space<vmem>>) semaphore(%run_scoped3A : memref<!tpu.dma_semaphore, #tpu.memory_space<semaphore_mem>>) {add = true}
      %dma_wait3A = arith.constant 0 : i32
      %dma_wait3A_540 = arith.constant 0 : i32
      %dma_wait3A_541 = tpu.memref_slice %arg6[%dma_wait3A, %dma_wait3A_540] : memref<80x128xf32, #tpu.memory_space<vmem_shared>> -> memref<80x128xf32, #tpu.memory_space<vmem_shared>>
      tpu.wait_indirect_dma semaphore(%run_scoped3A : memref<!tpu.dma_semaphore, #tpu.memory_space<semaphore_mem>>) src(%arg9 : memref<80x128xf32, #tpu.memory_space<vmem>>) dst(%dma_wait3A_541 : memref<80x128xf32, #tpu.memory_space<vmem_shared>>)
      tpu.yield
    }) : () -> ()
    %barrier3A_70 = arith.constant 0 : index
    tpu.barrier barrier_id(%barrier3A_70)
    %mul3A_71 = arith.constant 640 : i32
    %mul3A_72 = arith.muli %arg1, %mul3A_71 : i32
    %add3A_73 = arith.constant 0 : i32
    %add3A_74 = arith.addi %mul3A_72, %add3A_73 : i32
    %mul3A_75 = arith.constant 5 : i32
    %mul3A_76 = arith.muli %arg1, %mul3A_75 : i32
    %add3A_77 = arith.constant 0 : i32
    %add3A_78 = arith.addi %mul3A_76, %add3A_77 : i32
    "tpu.region"() ({
      %run_scoped3A = tpu.sem_alloc : memref<!tpu.dma_semaphore, #tpu.memory_space<semaphore_mem>>
      %dma_start3A = arith.constant 0 : i32
      %dma_start3A_538 = tpu.memref_slice %arg5[%add3A_74, %dma_start3A] : memref<10240x128xf32, #tpu.memory_space<vmem_shared>> -> memref<128x128xf32, #tpu.memory_space<vmem_shared>>
      %dma_start3A_539 = arith.constant 0 : i32
      %dma_start3A_540 = tpu.memref_slice %arg5[%add3A_74, %dma_start3A_539] : memref<10240x128xf32, #tpu.memory_space<vmem_shared>> -> memref<128x128xf32, #tpu.memory_space<vmem_shared>>
      tpu.enqueue_dma source(%dma_start3A_540 : memref<128x128xf32, #tpu.memory_space<vmem_shared>>) target(%arg11 : memref<128x128xf32, #tpu.memory_space<vmem>>) target_semaphore(%run_scoped3A : memref<!tpu.dma_semaphore, #tpu.memory_space<semaphore_mem>>)
      %dma_wait3A = arith.constant 0 : i32
      %dma_wait3A_541 = tpu.memref_slice %arg5[%add3A_74, %dma_wait3A] : memref<10240x128xf32, #tpu.memory_space<vmem_shared>> -> memref<128x128xf32, #tpu.memory_space<vmem_shared>>
      %dma_wait3A_542 = arith.constant 0 : i32
      %dma_wait3A_543 = tpu.memref_slice %arg5[%add3A_74, %dma_wait3A_542] : memref<10240x128xf32, #tpu.memory_space<vmem_shared>> -> memref<128x128xf32, #tpu.memory_space<vmem_shared>>
      tpu.wait_dma2 semaphore(%run_scoped3A : memref<!tpu.dma_semaphore, #tpu.memory_space<semaphore_mem>>) src(%dma_wait3A_543 : memref<128x128xf32, #tpu.memory_space<vmem_shared>>) dst(%arg11 : memref<128x128xf32, #tpu.memory_space<vmem>>)
      tpu.yield
    }) : () -> ()
    "tpu.region"() ({
      %run_scoped3A = tpu.sem_alloc : memref<!tpu.dma_semaphore, #tpu.memory_space<semaphore_mem>>
      %dma_start3A = arith.constant 0 : i32
      %dma_start3A_538 = tpu.memref_slice %arg6[%add3A_78, %dma_start3A] : memref<80x128xf32, #tpu.memory_space<vmem_shared>> -> memref<1x128xf32, #tpu.memory_space<vmem_shared>>
      %dma_start3A_539 = tpu.memref_squeeze %dma_start3A_538 : memref<1x128xf32, #tpu.memory_space<vmem_shared>> -> memref<128xf32, #tpu.memory_space<vmem_shared>>
      %dma_start3A_540 = arith.constant 0 : i32
      %dma_start3A_541 = tpu.memref_slice %arg6[%add3A_78, %dma_start3A_540] : memref<80x128xf32, #tpu.memory_space<vmem_shared>> -> memref<1x128xf32, #tpu.memory_space<vmem_shared>>
      %dma_start3A_542 = tpu.memref_squeeze %dma_start3A_541 : memref<1x128xf32, #tpu.memory_space<vmem_shared>> -> memref<128xf32, #tpu.memory_space<vmem_shared>>
      tpu.enqueue_dma source(%dma_start3A_542 : memref<128xf32, #tpu.memory_space<vmem_shared>>) target(%arg12 : memref<128xf32, #tpu.memory_space<vmem>>) target_semaphore(%run_scoped3A : memref<!tpu.dma_semaphore, #tpu.memory_space<semaphore_mem>>)
      %dma_wait3A = arith.constant 0 : i32
      %dma_wait3A_543 = tpu.memref_slice %arg6[%add3A_78, %dma_wait3A] : memref<80x128xf32, #tpu.memory_space<vmem_shared>> -> memref<1x128xf32, #tpu.memory_space<vmem_shared>>
      %dma_wait3A_544 = tpu.memref_squeeze %dma_wait3A_543 : memref<1x128xf32, #tpu.memory_space<vmem_shared>> -> memref<128xf32, #tpu.memory_space<vmem_shared>>
      %dma_wait3A_545 = arith.constant 0 : i32
      %dma_wait3A_546 = tpu.memref_slice %arg6[%add3A_78, %dma_wait3A_545] : memref<80x128xf32, #tpu.memory_space<vmem_shared>> -> memref<1x128xf32, #tpu.memory_space<vmem_shared>>
      %dma_wait3A_547 = tpu.memref_squeeze %dma_wait3A_546 : memref<1x128xf32, #tpu.memory_space<vmem_shared>> -> memref<128xf32, #tpu.memory_space<vmem_shared>>
      tpu.wait_dma2 semaphore(%run_scoped3A : memref<!tpu.dma_semaphore, #tpu.memory_space<semaphore_mem>>) src(%dma_wait3A_547 : memref<128xf32, #tpu.memory_space<vmem_shared>>) dst(%arg12 : memref<128xf32, #tpu.memory_space<vmem>>)
      tpu.yield
    }) : () -> ()
    %get3A = arith.constant 0 : index
    %get3A_79 = tpu.vector_load %arg12[%get3A] {strides = array<i32>} : memref<128xf32, #tpu.memory_space<vmem>>, vector<16xf32>,
    %max3A = arith.constant 1.000000e+00 : f32
    %max3A_80 = vector.broadcast %max3A : f32 to vector<16xf32>
    %max3A_81 = arith.maximumf %get3A_79, %max3A_80 : vector<16xf32>
    %div3A = arith.constant 1.000000e+00 : f32
    %div3A_82 = vector.broadcast %div3A : f32 to vector<16xf32>
    %div3A_83 = arith.divf %div3A_82, %max3A_81 : vector<16xf32>
    %swap3A_84 = arith.constant 0 : index
    %swap3A_85 = tpu.vector_load %arg13[%swap3A_84] {strides = array<i32>} : memref<128xf32, #tpu.memory_space<vmem>>, vector<16xf32>,
    tpu.vector_store %arg13[%swap3A_84], %div3A_83 {strides = array<i32>} : memref<128xf32, #tpu.memory_space<vmem>>, vector<16xf32>,
    %get3A_86 = arith.constant 16 : index
    %get3A_87 = tpu.vector_load %arg12[%get3A_86] {strides = array<i32>} : memref<128xf32, #tpu.memory_space<vmem>>, vector<16xf32>,
    %max3A_88 = arith.constant 1.000000e+00 : f32
    %max3A_89 = vector.broadcast %max3A_88 : f32 to vector<16xf32>
    %max3A_90 = arith.maximumf %get3A_87, %max3A_89 : vector<16xf32>
    %div3A_91 = arith.constant 1.000000e+00 : f32
    %div3A_92 = vector.broadcast %div3A_91 : f32 to vector<16xf32>
    %div3A_93 = arith.divf %div3A_92, %max3A_90 : vector<16xf32>
    %swap3A_94 = arith.constant 16 : index
    %swap3A_95 = tpu.vector_load %arg13[%swap3A_94] {strides = array<i32>} : memref<128xf32, #tpu.memory_space<vmem>>, vector<16xf32>,
    tpu.vector_store %arg13[%swap3A_94], %div3A_93 {strides = array<i32>} : memref<128xf32, #tpu.memory_space<vmem>>, vector<16xf32>,
    %get3A_96 = arith.constant 32 : index
    %get3A_97 = tpu.vector_load %arg12[%get3A_96] {strides = array<i32>} : memref<128xf32, #tpu.memory_space<vmem>>, vector<16xf32>,
    %max3A_98 = arith.constant 1.000000e+00 : f32
    %max3A_99 = vector.broadcast %max3A_98 : f32 to vector<16xf32>
    %max3A_100 = arith.maximumf %get3A_97, %max3A_99 : vector<16xf32>
    %div3A_101 = arith.constant 1.000000e+00 : f32
    %div3A_102 = vector.broadcast %div3A_101 : f32 to vector<16xf32>
    %div3A_103 = arith.divf %div3A_102, %max3A_100 : vector<16xf32>
    %swap3A_104 = arith.constant 32 : index
    %swap3A_105 = tpu.vector_load %arg13[%swap3A_104] {strides = array<i32>} : memref<128xf32, #tpu.memory_space<vmem>>, vector<16xf32>,
    tpu.vector_store %arg13[%swap3A_104], %div3A_103 {strides = array<i32>} : memref<128xf32, #tpu.memory_space<vmem>>, vector<16xf32>,
    %get3A_106 = arith.constant 48 : index
    %get3A_107 = tpu.vector_load %arg12[%get3A_106] {strides = array<i32>} : memref<128xf32, #tpu.memory_space<vmem>>, vector<16xf32>,
    %max3A_108 = arith.constant 1.000000e+00 : f32
    %max3A_109 = vector.broadcast %max3A_108 : f32 to vector<16xf32>
    %max3A_110 = arith.maximumf %get3A_107, %max3A_109 : vector<16xf32>
    %div3A_111 = arith.constant 1.000000e+00 : f32
    %div3A_112 = vector.broadcast %div3A_111 : f32 to vector<16xf32>
    %div3A_113 = arith.divf %div3A_112, %max3A_110 : vector<16xf32>
    %swap3A_114 = arith.constant 48 : index
    %swap3A_115 = tpu.vector_load %arg13[%swap3A_114] {strides = array<i32>} : memref<128xf32, #tpu.memory_space<vmem>>, vector<16xf32>,
    tpu.vector_store %arg13[%swap3A_114], %div3A_113 {strides = array<i32>} : memref<128xf32, #tpu.memory_space<vmem>>, vector<16xf32>,
    %get3A_116 = arith.constant 64 : index
    %get3A_117 = tpu.vector_load %arg12[%get3A_116] {strides = array<i32>} : memref<128xf32, #tpu.memory_space<vmem>>, vector<16xf32>,
    %max3A_118 = arith.constant 1.000000e+00 : f32
    %max3A_119 = vector.broadcast %max3A_118 : f32 to vector<16xf32>
    %max3A_120 = arith.maximumf %get3A_117, %max3A_119 : vector<16xf32>
    %div3A_121 = arith.constant 1.000000e+00 : f32
    %div3A_122 = vector.broadcast %div3A_121 : f32 to vector<16xf32>
    %div3A_123 = arith.divf %div3A_122, %max3A_120 : vector<16xf32>
    %swap3A_124 = arith.constant 64 : index
    %swap3A_125 = tpu.vector_load %arg13[%swap3A_124] {strides = array<i32>} : memref<128xf32, #tpu.memory_space<vmem>>, vector<16xf32>,
    tpu.vector_store %arg13[%swap3A_124], %div3A_123 {strides = array<i32>} : memref<128xf32, #tpu.memory_space<vmem>>, vector<16xf32>,
    %get3A_126 = arith.constant 80 : index
    %get3A_127 = tpu.vector_load %arg12[%get3A_126] {strides = array<i32>} : memref<128xf32, #tpu.memory_space<vmem>>, vector<16xf32>,
    %max3A_128 = arith.constant 1.000000e+00 : f32
    %max3A_129 = vector.broadcast %max3A_128 : f32 to vector<16xf32>
    %max3A_130 = arith.maximumf %get3A_127, %max3A_129 : vector<16xf32>
    %div3A_131 = arith.constant 1.000000e+00 : f32
    %div3A_132 = vector.broadcast %div3A_131 : f32 to vector<16xf32>
    %div3A_133 = arith.divf %div3A_132, %max3A_130 : vector<16xf32>
    %swap3A_134 = arith.constant 80 : index
    %swap3A_135 = tpu.vector_load %arg13[%swap3A_134] {strides = array<i32>} : memref<128xf32, #tpu.memory_space<vmem>>, vector<16xf32>,
    tpu.vector_store %arg13[%swap3A_134], %div3A_133 {strides = array<i32>} : memref<128xf32, #tpu.memory_space<vmem>>, vector<16xf32>,
    %get3A_136 = arith.constant 96 : index
    %get3A_137 = tpu.vector_load %arg12[%get3A_136] {strides = array<i32>} : memref<128xf32, #tpu.memory_space<vmem>>, vector<16xf32>,
    %max3A_138 = arith.constant 1.000000e+00 : f32
    %max3A_139 = vector.broadcast %max3A_138 : f32 to vector<16xf32>
    %max3A_140 = arith.maximumf %get3A_137, %max3A_139 : vector<16xf32>
    %div3A_141 = arith.constant 1.000000e+00 : f32
    %div3A_142 = vector.broadcast %div3A_141 : f32 to vector<16xf32>
    %div3A_143 = arith.divf %div3A_142, %max3A_140 : vector<16xf32>
    %swap3A_144 = arith.constant 96 : index
    %swap3A_145 = tpu.vector_load %arg13[%swap3A_144] {strides = array<i32>} : memref<128xf32, #tpu.memory_space<vmem>>, vector<16xf32>,
    tpu.vector_store %arg13[%swap3A_144], %div3A_143 {strides = array<i32>} : memref<128xf32, #tpu.memory_space<vmem>>, vector<16xf32>,
    %get3A_146 = arith.constant 112 : index
    %get3A_147 = tpu.vector_load %arg12[%get3A_146] {strides = array<i32>} : memref<128xf32, #tpu.memory_space<vmem>>, vector<16xf32>,
    %max3A_148 = arith.constant 1.000000e+00 : f32
    %max3A_149 = vector.broadcast %max3A_148 : f32 to vector<16xf32>
    %max3A_150 = arith.maximumf %get3A_147, %max3A_149 : vector<16xf32>
    %div3A_151 = arith.constant 1.000000e+00 : f32
    %div3A_152 = vector.broadcast %div3A_151 : f32 to vector<16xf32>
    %div3A_153 = arith.divf %div3A_152, %max3A_150 : vector<16xf32>
    %swap3A_154 = arith.constant 112 : index
    %swap3A_155 = tpu.vector_load %arg13[%swap3A_154] {strides = array<i32>} : memref<128xf32, #tpu.memory_space<vmem>>, vector<16xf32>,
    tpu.vector_store %arg13[%swap3A_154], %div3A_153 {strides = array<i32>} : memref<128xf32, #tpu.memory_space<vmem>>, vector<16xf32>,
    %scan3A_156 = arith.constant 0 : i32
    %scan3A_157 = arith.constant 0 : i32
    %scan3A_158 = arith.constant 128 : i32
    %scan3A_159 = arith.addi %scan3A_157, %scan3A_158 : i32
    %scan3A_160 = arith.constant 1 : i32
    scf.for %scan3A_538 = %scan3A_157 to %scan3A_159 step %scan3A_160  : i32 {
      %broadcast_in_dim3A_539 = vector.broadcast %scan3A_538 : i32 to vector<16xi32>
      %gather3A = tpu.vector_load_idx %arg13[%broadcast_in_dim3A_539] : memref<128xf32, #tpu.memory_space<vmem>>[vector<16xi32>], vector<16xf32>,
      %get3A_540 = arith.index_cast %scan3A_538 : i32 to index
      %get3A_541 = arith.constant 0 : index
      %get3A_542 = tpu.vector_load %arg11[%get3A_540, %get3A_541] {strides = array<i32>} : memref<128x128xf32, #tpu.memory_space<vmem>>, vector<16xf32>,
      %mul3A_543 = arith.mulf %get3A_542, %gather3A : vector<16xf32>
      %swap3A_544 = arith.index_cast %scan3A_538 : i32 to index
      %swap3A_545 = arith.constant 0 : index
      %swap3A_546 = tpu.vector_load %arg11[%swap3A_544, %swap3A_545] {strides = array<i32>} : memref<128x128xf32, #tpu.memory_space<vmem>>, vector<16xf32>,
      tpu.vector_store %arg11[%swap3A_544, %swap3A_545], %mul3A_543 {strides = array<i32>} : memref<128x128xf32, #tpu.memory_space<vmem>>, vector<16xf32>,
      %get3A_547 = arith.index_cast %scan3A_538 : i32 to index
      %get3A_548 = arith.constant 16 : index
      %get3A_549 = tpu.vector_load %arg11[%get3A_547, %get3A_548] {strides = array<i32>} : memref<128x128xf32, #tpu.memory_space<vmem>>, vector<16xf32>,
      %mul3A_550 = arith.mulf %get3A_549, %gather3A : vector<16xf32>
      %swap3A_551 = arith.index_cast %scan3A_538 : i32 to index
      %swap3A_552 = arith.constant 16 : index
      %swap3A_553 = tpu.vector_load %arg11[%swap3A_551, %swap3A_552] {strides = array<i32>} : memref<128x128xf32, #tpu.memory_space<vmem>>, vector<16xf32>,
      tpu.vector_store %arg11[%swap3A_551, %swap3A_552], %mul3A_550 {strides = array<i32>} : memref<128x128xf32, #tpu.memory_space<vmem>>, vector<16xf32>,
      %get3A_554 = arith.index_cast %scan3A_538 : i32 to index
      %get3A_555 = arith.constant 32 : index
      %get3A_556 = tpu.vector_load %arg11[%get3A_554, %get3A_555] {strides = array<i32>} : memref<128x128xf32, #tpu.memory_space<vmem>>, vector<16xf32>,
      %mul3A_557 = arith.mulf %get3A_556, %gather3A : vector<16xf32>
      %swap3A_558 = arith.index_cast %scan3A_538 : i32 to index
      %swap3A_559 = arith.constant 32 : index
      %swap3A_560 = tpu.vector_load %arg11[%swap3A_558, %swap3A_559] {strides = array<i32>} : memref<128x128xf32, #tpu.memory_space<vmem>>, vector<16xf32>,
      tpu.vector_store %arg11[%swap3A_558, %swap3A_559], %mul3A_557 {strides = array<i32>} : memref<128x128xf32, #tpu.memory_space<vmem>>, vector<16xf32>,
      %get3A_561 = arith.index_cast %scan3A_538 : i32 to index
      %get3A_562 = arith.constant 48 : index
      %get3A_563 = tpu.vector_load %arg11[%get3A_561, %get3A_562] {strides = array<i32>} : memref<128x128xf32, #tpu.memory_space<vmem>>, vector<16xf32>,
      %mul3A_564 = arith.mulf %get3A_563, %gather3A : vector<16xf32>
      %swap3A_565 = arith.index_cast %scan3A_538 : i32 to index
      %swap3A_566 = arith.constant 48 : index
      %swap3A_567 = tpu.vector_load %arg11[%swap3A_565, %swap3A_566] {strides = array<i32>} : memref<128x128xf32, #tpu.memory_space<vmem>>, vector<16xf32>,
      tpu.vector_store %arg11[%swap3A_565, %swap3A_566], %mul3A_564 {strides = array<i32>} : memref<128x128xf32, #tpu.memory_space<vmem>>, vector<16xf32>,
      %get3A_568 = arith.index_cast %scan3A_538 : i32 to index
      %get3A_569 = arith.constant 64 : index
      %get3A_570 = tpu.vector_load %arg11[%get3A_568, %get3A_569] {strides = array<i32>} : memref<128x128xf32, #tpu.memory_space<vmem>>, vector<16xf32>,
      %mul3A_571 = arith.mulf %get3A_570, %gather3A : vector<16xf32>
      %swap3A_572 = arith.index_cast %scan3A_538 : i32 to index
      %swap3A_573 = arith.constant 64 : index
      %swap3A_574 = tpu.vector_load %arg11[%swap3A_572, %swap3A_573] {strides = array<i32>} : memref<128x128xf32, #tpu.memory_space<vmem>>, vector<16xf32>,
      tpu.vector_store %arg11[%swap3A_572, %swap3A_573], %mul3A_571 {strides = array<i32>} : memref<128x128xf32, #tpu.memory_space<vmem>>, vector<16xf32>,
      %get3A_575 = arith.index_cast %scan3A_538 : i32 to index
      %get3A_576 = arith.constant 80 : index
      %get3A_577 = tpu.vector_load %arg11[%get3A_575, %get3A_576] {strides = array<i32>} : memref<128x128xf32, #tpu.memory_space<vmem>>, vector<16xf32>,
      %mul3A_578 = arith.mulf %get3A_577, %gather3A : vector<16xf32>
      %swap3A_579 = arith.index_cast %scan3A_538 : i32 to index
      %swap3A_580 = arith.constant 80 : index
      %swap3A_581 = tpu.vector_load %arg11[%swap3A_579, %swap3A_580] {strides = array<i32>} : memref<128x128xf32, #tpu.memory_space<vmem>>, vector<16xf32>,
      tpu.vector_store %arg11[%swap3A_579, %swap3A_580], %mul3A_578 {strides = array<i32>} : memref<128x128xf32, #tpu.memory_space<vmem>>, vector<16xf32>,
      %get3A_582 = arith.index_cast %scan3A_538 : i32 to index
      %get3A_583 = arith.constant 96 : index
      %get3A_584 = tpu.vector_load %arg11[%get3A_582, %get3A_583] {strides = array<i32>} : memref<128x128xf32, #tpu.memory_space<vmem>>, vector<16xf32>,
      %mul3A_585 = arith.mulf %get3A_584, %gather3A : vector<16xf32>
      %swap3A_586 = arith.index_cast %scan3A_538 : i32 to index
      %swap3A_587 = arith.constant 96 : index
      %swap3A_588 = tpu.vector_load %arg11[%swap3A_586, %swap3A_587] {strides = array<i32>} : memref<128x128xf32, #tpu.memory_space<vmem>>, vector<16xf32>,
      tpu.vector_store %arg11[%swap3A_586, %swap3A_587], %mul3A_585 {strides = array<i32>} : memref<128x128xf32, #tpu.memory_space<vmem>>, vector<16xf32>,
      %get3A_589 = arith.index_cast %scan3A_538 : i32 to index
      %get3A_590 = arith.constant 112 : index
      %get3A_591 = tpu.vector_load %arg11[%get3A_589, %get3A_590] {strides = array<i32>} : memref<128x128xf32, #tpu.memory_space<vmem>>, vector<16xf32>,
      %mul3A_592 = arith.mulf %get3A_591, %gather3A : vector<16xf32>
      %swap3A_593 = arith.index_cast %scan3A_538 : i32 to index
      %swap3A_594 = arith.constant 112 : index
      %swap3A_595 = tpu.vector_load %arg11[%swap3A_593, %swap3A_594] {strides = array<i32>} : memref<128x128xf32, #tpu.memory_space<vmem>>, vector<16xf32>,
      tpu.vector_store %arg11[%swap3A_593, %swap3A_594], %mul3A_592 {strides = array<i32>} : memref<128x128xf32, #tpu.memory_space<vmem>>, vector<16xf32>,
    }
    %scan3A_161 = arith.constant 128 : i32
    "tpu.region"() ({
      %run_scoped3A = tpu.sem_alloc : memref<!tpu.dma_semaphore, #tpu.memory_space<semaphore_mem>>
      %dma_start3A = tpu.memref_slice %arg4[%add3A_74, %mul3A_0] : memref<10240x256xf32, #tpu.memory_space<hbm>> -> memref<128x128xf32, #tpu.memory_space<hbm>>
      %dma_start3A_538 = tpu.memref_slice %arg4[%add3A_74, %mul3A_0] : memref<10240x256xf32, #tpu.memory_space<hbm>> -> memref<128x128xf32, #tpu.memory_space<hbm>>
      tpu.enqueue_dma source(%arg11 : memref<128x128xf32, #tpu.memory_space<vmem>>) target(%dma_start3A_538 : memref<128x128xf32, #tpu.memory_space<hbm>>) target_semaphore(%run_scoped3A : memref<!tpu.dma_semaphore, #tpu.memory_space<semaphore_mem>>)
      %dma_wait3A = tpu.memref_slice %arg4[%add3A_74, %mul3A_0] : memref<10240x256xf32, #tpu.memory_space<hbm>> -> memref<128x128xf32, #tpu.memory_space<hbm>>
      %dma_wait3A_539 = tpu.memref_slice %arg4[%add3A_74, %mul3A_0] : memref<10240x256xf32, #tpu.memory_space<hbm>> -> memref<128x128xf32, #tpu.memory_space<hbm>>
      tpu.wait_dma2 semaphore(%run_scoped3A : memref<!tpu.dma_semaphore, #tpu.memory_space<semaphore_mem>>) src(%arg11 : memref<128x128xf32, #tpu.memory_space<vmem>>) dst(%dma_wait3A_539 : memref<128x128xf32, #tpu.memory_space<hbm>>)
      tpu.yield
    }) : () -> ()
    %mul3A_162 = arith.constant 640 : i32
    %mul3A_163 = arith.muli %arg1, %mul3A_162 : i32
    %add3A_164 = arith.constant 128 : i32
    %add3A_165 = arith.addi %mul3A_163, %add3A_164 : i32
    %mul3A_166 = arith.constant 5 : i32
    %mul3A_167 = arith.muli %arg1, %mul3A_166 : i32
    %add3A_168 = arith.constant 1 : i32
    %add3A_169 = arith.addi %mul3A_167, %add3A_168 : i32
    "tpu.region"() ({
      %run_scoped3A = tpu.sem_alloc : memref<!tpu.dma_semaphore, #tpu.memory_space<semaphore_mem>>
      %dma_start3A = arith.constant 0 : i32
      %dma_start3A_538 = tpu.memref_slice %arg5[%add3A_165, %dma_start3A] : memref<10240x128xf32, #tpu.memory_space<vmem_shared>> -> memref<128x128xf32, #tpu.memory_space<vmem_shared>>
      %dma_start3A_539 = arith.constant 0 : i32
      %dma_start3A_540 = tpu.memref_slice %arg5[%add3A_165, %dma_start3A_539] : memref<10240x128xf32, #tpu.memory_space<vmem_shared>> -> memref<128x128xf32, #tpu.memory_space<vmem_shared>>
      tpu.enqueue_dma source(%dma_start3A_540 : memref<128x128xf32, #tpu.memory_space<vmem_shared>>) target(%arg11 : memref<128x128xf32, #tpu.memory_space<vmem>>) target_semaphore(%run_scoped3A : memref<!tpu.dma_semaphore, #tpu.memory_space<semaphore_mem>>)
      %dma_wait3A = arith.constant 0 : i32
      %dma_wait3A_541 = tpu.memref_slice %arg5[%add3A_165, %dma_wait3A] : memref<10240x128xf32, #tpu.memory_space<vmem_shared>> -> memref<128x128xf32, #tpu.memory_space<vmem_shared>>
      %dma_wait3A_542 = arith.constant 0 : i32
      %dma_wait3A_543 = tpu.memref_slice %arg5[%add3A_165, %dma_wait3A_542] : memref<10240x128xf32, #tpu.memory_space<vmem_shared>> -> memref<128x128xf32, #tpu.memory_space<vmem_shared>>
      tpu.wait_dma2 semaphore(%run_scoped3A : memref<!tpu.dma_semaphore, #tpu.memory_space<semaphore_mem>>) src(%dma_wait3A_543 : memref<128x128xf32, #tpu.memory_space<vmem_shared>>) dst(%arg11 : memref<128x128xf32, #tpu.memory_space<vmem>>)
      tpu.yield
    }) : () -> ()
    "tpu.region"() ({
      %run_scoped3A = tpu.sem_alloc : memref<!tpu.dma_semaphore, #tpu.memory_space<semaphore_mem>>
      %dma_start3A = arith.constant 0 : i32
      %dma_start3A_538 = tpu.memref_slice %arg6[%add3A_169, %dma_start3A] : memref<80x128xf32, #tpu.memory_space<vmem_shared>> -> memref<1x128xf32, #tpu.memory_space<vmem_shared>>
      %dma_start3A_539 = tpu.memref_squeeze %dma_start3A_538 : memref<1x128xf32, #tpu.memory_space<vmem_shared>> -> memref<128xf32, #tpu.memory_space<vmem_shared>>
      %dma_start3A_540 = arith.constant 0 : i32
      %dma_start3A_541 = tpu.memref_slice %arg6[%add3A_169, %dma_start3A_540] : memref<80x128xf32, #tpu.memory_space<vmem_shared>> -> memref<1x128xf32, #tpu.memory_space<vmem_shared>>
      %dma_start3A_542 = tpu.memref_squeeze %dma_start3A_541 : memref<1x128xf32, #tpu.memory_space<vmem_shared>> -> memref<128xf32, #tpu.memory_space<vmem_shared>>
      tpu.enqueue_dma source(%dma_start3A_542 : memref<128xf32, #tpu.memory_space<vmem_shared>>) target(%arg12 : memref<128xf32, #tpu.memory_space<vmem>>) target_semaphore(%run_scoped3A : memref<!tpu.dma_semaphore, #tpu.memory_space<semaphore_mem>>)
      %dma_wait3A = arith.constant 0 : i32
      %dma_wait3A_543 = tpu.memref_slice %arg6[%add3A_169, %dma_wait3A] : memref<80x128xf32, #tpu.memory_space<vmem_shared>> -> memref<1x128xf32, #tpu.memory_space<vmem_shared>>
      %dma_wait3A_544 = tpu.memref_squeeze %dma_wait3A_543 : memref<1x128xf32, #tpu.memory_space<vmem_shared>> -> memref<128xf32, #tpu.memory_space<vmem_shared>>
      %dma_wait3A_545 = arith.constant 0 : i32
      %dma_wait3A_546 = tpu.memref_slice %arg6[%add3A_169, %dma_wait3A_545] : memref<80x128xf32, #tpu.memory_space<vmem_shared>> -> memref<1x128xf32, #tpu.memory_space<vmem_shared>>
      %dma_wait3A_547 = tpu.memref_squeeze %dma_wait3A_546 : memref<1x128xf32, #tpu.memory_space<vmem_shared>> -> memref<128xf32, #tpu.memory_space<vmem_shared>>
      tpu.wait_dma2 semaphore(%run_scoped3A : memref<!tpu.dma_semaphore, #tpu.memory_space<semaphore_mem>>) src(%dma_wait3A_547 : memref<128xf32, #tpu.memory_space<vmem_shared>>) dst(%arg12 : memref<128xf32, #tpu.memory_space<vmem>>)
      tpu.yield
    }) : () -> ()
    %get3A_170 = arith.constant 0 : index
    %get3A_171 = tpu.vector_load %arg12[%get3A_170] {strides = array<i32>} : memref<128xf32, #tpu.memory_space<vmem>>, vector<16xf32>,
    %max3A_172 = arith.constant 1.000000e+00 : f32
    %max3A_173 = vector.broadcast %max3A_172 : f32 to vector<16xf32>
    %max3A_174 = arith.maximumf %get3A_171, %max3A_173 : vector<16xf32>
    %div3A_175 = arith.constant 1.000000e+00 : f32
    %div3A_176 = vector.broadcast %div3A_175 : f32 to vector<16xf32>
    %div3A_177 = arith.divf %div3A_176, %max3A_174 : vector<16xf32>
    %swap3A_178 = arith.constant 0 : index
    %swap3A_179 = tpu.vector_load %arg13[%swap3A_178] {strides = array<i32>} : memref<128xf32, #tpu.memory_space<vmem>>, vector<16xf32>,
    tpu.vector_store %arg13[%swap3A_178], %div3A_177 {strides = array<i32>} : memref<128xf32, #tpu.memory_space<vmem>>, vector<16xf32>,
    %get3A_180 = arith.constant 16 : index
    %get3A_181 = tpu.vector_load %arg12[%get3A_180] {strides = array<i32>} : memref<128xf32, #tpu.memory_space<vmem>>, vector<16xf32>,
    %max3A_182 = arith.constant 1.000000e+00 : f32
    %max3A_183 = vector.broadcast %max3A_182 : f32 to vector<16xf32>
    %max3A_184 = arith.maximumf %get3A_181, %max3A_183 : vector<16xf32>
    %div3A_185 = arith.constant 1.000000e+00 : f32
    %div3A_186 = vector.broadcast %div3A_185 : f32 to vector<16xf32>
    %div3A_187 = arith.divf %div3A_186, %max3A_184 : vector<16xf32>
    %swap3A_188 = arith.constant 16 : index
    %swap3A_189 = tpu.vector_load %arg13[%swap3A_188] {strides = array<i32>} : memref<128xf32, #tpu.memory_space<vmem>>, vector<16xf32>,
    tpu.vector_store %arg13[%swap3A_188], %div3A_187 {strides = array<i32>} : memref<128xf32, #tpu.memory_space<vmem>>, vector<16xf32>,
    %get3A_190 = arith.constant 32 : index
    %get3A_191 = tpu.vector_load %arg12[%get3A_190] {strides = array<i32>} : memref<128xf32, #tpu.memory_space<vmem>>, vector<16xf32>,
    %max3A_192 = arith.constant 1.000000e+00 : f32
    %max3A_193 = vector.broadcast %max3A_192 : f32 to vector<16xf32>
    %max3A_194 = arith.maximumf %get3A_191, %max3A_193 : vector<16xf32>
    %div3A_195 = arith.constant 1.000000e+00 : f32
    %div3A_196 = vector.broadcast %div3A_195 : f32 to vector<16xf32>
    %div3A_197 = arith.divf %div3A_196, %max3A_194 : vector<16xf32>
    %swap3A_198 = arith.constant 32 : index
    %swap3A_199 = tpu.vector_load %arg13[%swap3A_198] {strides = array<i32>} : memref<128xf32, #tpu.memory_space<vmem>>, vector<16xf32>,
    tpu.vector_store %arg13[%swap3A_198], %div3A_197 {strides = array<i32>} : memref<128xf32, #tpu.memory_space<vmem>>, vector<16xf32>,
    %get3A_200 = arith.constant 48 : index
    %get3A_201 = tpu.vector_load %arg12[%get3A_200] {strides = array<i32>} : memref<128xf32, #tpu.memory_space<vmem>>, vector<16xf32>,
    %max3A_202 = arith.constant 1.000000e+00 : f32
    %max3A_203 = vector.broadcast %max3A_202 : f32 to vector<16xf32>
    %max3A_204 = arith.maximumf %get3A_201, %max3A_203 : vector<16xf32>
    %div3A_205 = arith.constant 1.000000e+00 : f32
    %div3A_206 = vector.broadcast %div3A_205 : f32 to vector<16xf32>
    %div3A_207 = arith.divf %div3A_206, %max3A_204 : vector<16xf32>
    %swap3A_208 = arith.constant 48 : index
    %swap3A_209 = tpu.vector_load %arg13[%swap3A_208] {strides = array<i32>} : memref<128xf32, #tpu.memory_space<vmem>>, vector<16xf32>,
    tpu.vector_store %arg13[%swap3A_208], %div3A_207 {strides = array<i32>} : memref<128xf32, #tpu.memory_space<vmem>>, vector<16xf32>,
    %get3A_210 = arith.constant 64 : index
    %get3A_211 = tpu.vector_load %arg12[%get3A_210] {strides = array<i32>} : memref<128xf32, #tpu.memory_space<vmem>>, vector<16xf32>,
    %max3A_212 = arith.constant 1.000000e+00 : f32
    %max3A_213 = vector.broadcast %max3A_212 : f32 to vector<16xf32>
    %max3A_214 = arith.maximumf %get3A_211, %max3A_213 : vector<16xf32>
    %div3A_215 = arith.constant 1.000000e+00 : f32
    %div3A_216 = vector.broadcast %div3A_215 : f32 to vector<16xf32>
    %div3A_217 = arith.divf %div3A_216, %max3A_214 : vector<16xf32>
    %swap3A_218 = arith.constant 64 : index
    %swap3A_219 = tpu.vector_load %arg13[%swap3A_218] {strides = array<i32>} : memref<128xf32, #tpu.memory_space<vmem>>, vector<16xf32>,
    tpu.vector_store %arg13[%swap3A_218], %div3A_217 {strides = array<i32>} : memref<128xf32, #tpu.memory_space<vmem>>, vector<16xf32>,
    %get3A_220 = arith.constant 80 : index
    %get3A_221 = tpu.vector_load %arg12[%get3A_220] {strides = array<i32>} : memref<128xf32, #tpu.memory_space<vmem>>, vector<16xf32>,
    %max3A_222 = arith.constant 1.000000e+00 : f32
    %max3A_223 = vector.broadcast %max3A_222 : f32 to vector<16xf32>
    %max3A_224 = arith.maximumf %get3A_221, %max3A_223 : vector<16xf32>
    %div3A_225 = arith.constant 1.000000e+00 : f32
    %div3A_226 = vector.broadcast %div3A_225 : f32 to vector<16xf32>
    %div3A_227 = arith.divf %div3A_226, %max3A_224 : vector<16xf32>
    %swap3A_228 = arith.constant 80 : index
    %swap3A_229 = tpu.vector_load %arg13[%swap3A_228] {strides = array<i32>} : memref<128xf32, #tpu.memory_space<vmem>>, vector<16xf32>,
    tpu.vector_store %arg13[%swap3A_228], %div3A_227 {strides = array<i32>} : memref<128xf32, #tpu.memory_space<vmem>>, vector<16xf32>,
    %get3A_230 = arith.constant 96 : index
    %get3A_231 = tpu.vector_load %arg12[%get3A_230] {strides = array<i32>} : memref<128xf32, #tpu.memory_space<vmem>>, vector<16xf32>,
    %max3A_232 = arith.constant 1.000000e+00 : f32
    %max3A_233 = vector.broadcast %max3A_232 : f32 to vector<16xf32>
    %max3A_234 = arith.maximumf %get3A_231, %max3A_233 : vector<16xf32>
    %div3A_235 = arith.constant 1.000000e+00 : f32
    %div3A_236 = vector.broadcast %div3A_235 : f32 to vector<16xf32>
    %div3A_237 = arith.divf %div3A_236, %max3A_234 : vector<16xf32>
    %swap3A_238 = arith.constant 96 : index
    %swap3A_239 = tpu.vector_load %arg13[%swap3A_238] {strides = array<i32>} : memref<128xf32, #tpu.memory_space<vmem>>, vector<16xf32>,
    tpu.vector_store %arg13[%swap3A_238], %div3A_237 {strides = array<i32>} : memref<128xf32, #tpu.memory_space<vmem>>, vector<16xf32>,
    %get3A_240 = arith.constant 112 : index
    %get3A_241 = tpu.vector_load %arg12[%get3A_240] {strides = array<i32>} : memref<128xf32, #tpu.memory_space<vmem>>, vector<16xf32>,
    %max3A_242 = arith.constant 1.000000e+00 : f32
    %max3A_243 = vector.broadcast %max3A_242 : f32 to vector<16xf32>
    %max3A_244 = arith.maximumf %get3A_241, %max3A_243 : vector<16xf32>
    %div3A_245 = arith.constant 1.000000e+00 : f32
    %div3A_246 = vector.broadcast %div3A_245 : f32 to vector<16xf32>
    %div3A_247 = arith.divf %div3A_246, %max3A_244 : vector<16xf32>
    %swap3A_248 = arith.constant 112 : index
    %swap3A_249 = tpu.vector_load %arg13[%swap3A_248] {strides = array<i32>} : memref<128xf32, #tpu.memory_space<vmem>>, vector<16xf32>,
    tpu.vector_store %arg13[%swap3A_248], %div3A_247 {strides = array<i32>} : memref<128xf32, #tpu.memory_space<vmem>>, vector<16xf32>,
    %scan3A_250 = arith.constant 0 : i32
    %scan3A_251 = arith.constant 0 : i32
    %scan3A_252 = arith.constant 128 : i32
    %scan3A_253 = arith.addi %scan3A_251, %scan3A_252 : i32
    %scan3A_254 = arith.constant 1 : i32
    scf.for %scan3A_538 = %scan3A_251 to %scan3A_253 step %scan3A_254  : i32 {
      %broadcast_in_dim3A_539 = vector.broadcast %scan3A_538 : i32 to vector<16xi32>
      %gather3A = tpu.vector_load_idx %arg13[%broadcast_in_dim3A_539] : memref<128xf32, #tpu.memory_space<vmem>>[vector<16xi32>], vector<16xf32>,
      %get3A_540 = arith.index_cast %scan3A_538 : i32 to index
      %get3A_541 = arith.constant 0 : index
      %get3A_542 = tpu.vector_load %arg11[%get3A_540, %get3A_541] {strides = array<i32>} : memref<128x128xf32, #tpu.memory_space<vmem>>, vector<16xf32>,
      %mul3A_543 = arith.mulf %get3A_542, %gather3A : vector<16xf32>
      %swap3A_544 = arith.index_cast %scan3A_538 : i32 to index
      %swap3A_545 = arith.constant 0 : index
      %swap3A_546 = tpu.vector_load %arg11[%swap3A_544, %swap3A_545] {strides = array<i32>} : memref<128x128xf32, #tpu.memory_space<vmem>>, vector<16xf32>,
      tpu.vector_store %arg11[%swap3A_544, %swap3A_545], %mul3A_543 {strides = array<i32>} : memref<128x128xf32, #tpu.memory_space<vmem>>, vector<16xf32>,
      %get3A_547 = arith.index_cast %scan3A_538 : i32 to index
      %get3A_548 = arith.constant 16 : index
      %get3A_549 = tpu.vector_load %arg11[%get3A_547, %get3A_548] {strides = array<i32>} : memref<128x128xf32, #tpu.memory_space<vmem>>, vector<16xf32>,
      %mul3A_550 = arith.mulf %get3A_549, %gather3A : vector<16xf32>
      %swap3A_551 = arith.index_cast %scan3A_538 : i32 to index
      %swap3A_552 = arith.constant 16 : index
      %swap3A_553 = tpu.vector_load %arg11[%swap3A_551, %swap3A_552] {strides = array<i32>} : memref<128x128xf32, #tpu.memory_space<vmem>>, vector<16xf32>,
      tpu.vector_store %arg11[%swap3A_551, %swap3A_552], %mul3A_550 {strides = array<i32>} : memref<128x128xf32, #tpu.memory_space<vmem>>, vector<16xf32>,
      %get3A_554 = arith.index_cast %scan3A_538 : i32 to index
      %get3A_555 = arith.constant 32 : index
      %get3A_556 = tpu.vector_load %arg11[%get3A_554, %get3A_555] {strides = array<i32>} : memref<128x128xf32, #tpu.memory_space<vmem>>, vector<16xf32>,
      %mul3A_557 = arith.mulf %get3A_556, %gather3A : vector<16xf32>
      %swap3A_558 = arith.index_cast %scan3A_538 : i32 to index
      %swap3A_559 = arith.constant 32 : index
      %swap3A_560 = tpu.vector_load %arg11[%swap3A_558, %swap3A_559] {strides = array<i32>} : memref<128x128xf32, #tpu.memory_space<vmem>>, vector<16xf32>,
      tpu.vector_store %arg11[%swap3A_558, %swap3A_559], %mul3A_557 {strides = array<i32>} : memref<128x128xf32, #tpu.memory_space<vmem>>, vector<16xf32>,
      %get3A_561 = arith.index_cast %scan3A_538 : i32 to index
      %get3A_562 = arith.constant 48 : index
      %get3A_563 = tpu.vector_load %arg11[%get3A_561, %get3A_562] {strides = array<i32>} : memref<128x128xf32, #tpu.memory_space<vmem>>, vector<16xf32>,
      %mul3A_564 = arith.mulf %get3A_563, %gather3A : vector<16xf32>
      %swap3A_565 = arith.index_cast %scan3A_538 : i32 to index
      %swap3A_566 = arith.constant 48 : index
      %swap3A_567 = tpu.vector_load %arg11[%swap3A_565, %swap3A_566] {strides = array<i32>} : memref<128x128xf32, #tpu.memory_space<vmem>>, vector<16xf32>,
      tpu.vector_store %arg11[%swap3A_565, %swap3A_566], %mul3A_564 {strides = array<i32>} : memref<128x128xf32, #tpu.memory_space<vmem>>, vector<16xf32>,
      %get3A_568 = arith.index_cast %scan3A_538 : i32 to index
      %get3A_569 = arith.constant 64 : index
      %get3A_570 = tpu.vector_load %arg11[%get3A_568, %get3A_569] {strides = array<i32>} : memref<128x128xf32, #tpu.memory_space<vmem>>, vector<16xf32>,
      %mul3A_571 = arith.mulf %get3A_570, %gather3A : vector<16xf32>
      %swap3A_572 = arith.index_cast %scan3A_538 : i32 to index
      %swap3A_573 = arith.constant 64 : index
      %swap3A_574 = tpu.vector_load %arg11[%swap3A_572, %swap3A_573] {strides = array<i32>} : memref<128x128xf32, #tpu.memory_space<vmem>>, vector<16xf32>,
      tpu.vector_store %arg11[%swap3A_572, %swap3A_573], %mul3A_571 {strides = array<i32>} : memref<128x128xf32, #tpu.memory_space<vmem>>, vector<16xf32>,
      %get3A_575 = arith.index_cast %scan3A_538 : i32 to index
      %get3A_576 = arith.constant 80 : index
      %get3A_577 = tpu.vector_load %arg11[%get3A_575, %get3A_576] {strides = array<i32>} : memref<128x128xf32, #tpu.memory_space<vmem>>, vector<16xf32>,
      %mul3A_578 = arith.mulf %get3A_577, %gather3A : vector<16xf32>
      %swap3A_579 = arith.index_cast %scan3A_538 : i32 to index
      %swap3A_580 = arith.constant 80 : index
      %swap3A_581 = tpu.vector_load %arg11[%swap3A_579, %swap3A_580] {strides = array<i32>} : memref<128x128xf32, #tpu.memory_space<vmem>>, vector<16xf32>,
      tpu.vector_store %arg11[%swap3A_579, %swap3A_580], %mul3A_578 {strides = array<i32>} : memref<128x128xf32, #tpu.memory_space<vmem>>, vector<16xf32>,
      %get3A_582 = arith.index_cast %scan3A_538 : i32 to index
      %get3A_583 = arith.constant 96 : index
      %get3A_584 = tpu.vector_load %arg11[%get3A_582, %get3A_583] {strides = array<i32>} : memref<128x128xf32, #tpu.memory_space<vmem>>, vector<16xf32>,
      %mul3A_585 = arith.mulf %get3A_584, %gather3A : vector<16xf32>
      %swap3A_586 = arith.index_cast %scan3A_538 : i32 to index
      %swap3A_587 = arith.constant 96 : index
      %swap3A_588 = tpu.vector_load %arg11[%swap3A_586, %swap3A_587] {strides = array<i32>} : memref<128x128xf32, #tpu.memory_space<vmem>>, vector<16xf32>,
      tpu.vector_store %arg11[%swap3A_586, %swap3A_587], %mul3A_585 {strides = array<i32>} : memref<128x128xf32, #tpu.memory_space<vmem>>, vector<16xf32>,
      %get3A_589 = arith.index_cast %scan3A_538 : i32 to index
      %get3A_590 = arith.constant 112 : index
      %get3A_591 = tpu.vector_load %arg11[%get3A_589, %get3A_590] {strides = array<i32>} : memref<128x128xf32, #tpu.memory_space<vmem>>, vector<16xf32>,
      %mul3A_592 = arith.mulf %get3A_591, %gather3A : vector<16xf32>
      %swap3A_593 = arith.index_cast %scan3A_538 : i32 to index
      %swap3A_594 = arith.constant 112 : index
      %swap3A_595 = tpu.vector_load %arg11[%swap3A_593, %swap3A_594] {strides = array<i32>} : memref<128x128xf32, #tpu.memory_space<vmem>>, vector<16xf32>,
      tpu.vector_store %arg11[%swap3A_593, %swap3A_594], %mul3A_592 {strides = array<i32>} : memref<128x128xf32, #tpu.memory_space<vmem>>, vector<16xf32>,
    }
    %scan3A_255 = arith.constant 128 : i32
    "tpu.region"() ({
      %run_scoped3A = tpu.sem_alloc : memref<!tpu.dma_semaphore, #tpu.memory_space<semaphore_mem>>
      %dma_start3A = tpu.memref_slice %arg4[%add3A_165, %mul3A_0] : memref<10240x256xf32, #tpu.memory_space<hbm>> -> memref<128x128xf32, #tpu.memory_space<hbm>>
      %dma_start3A_538 = tpu.memref_slice %arg4[%add3A_165, %mul3A_0] : memref<10240x256xf32, #tpu.memory_space<hbm>> -> memref<128x128xf32, #tpu.memory_space<hbm>>
      tpu.enqueue_dma source(%arg11 : memref<128x128xf32, #tpu.memory_space<vmem>>) target(%dma_start3A_538 : memref<128x128xf32, #tpu.memory_space<hbm>>) target_semaphore(%run_scoped3A : memref<!tpu.dma_semaphore, #tpu.memory_space<semaphore_mem>>)
      %dma_wait3A = tpu.memref_slice %arg4[%add3A_165, %mul3A_0] : memref<10240x256xf32, #tpu.memory_space<hbm>> -> memref<128x128xf32, #tpu.memory_space<hbm>>
      %dma_wait3A_539 = tpu.memref_slice %arg4[%add3A_165, %mul3A_0] : memref<10240x256xf32, #tpu.memory_space<hbm>> -> memref<128x128xf32, #tpu.memory_space<hbm>>
      tpu.wait_dma2 semaphore(%run_scoped3A : memref<!tpu.dma_semaphore, #tpu.memory_space<semaphore_mem>>) src(%arg11 : memref<128x128xf32, #tpu.memory_space<vmem>>) dst(%dma_wait3A_539 : memref<128x128xf32, #tpu.memory_space<hbm>>)
      tpu.yield
    }) : () -> ()
    %mul3A_256 = arith.constant 640 : i32
    %mul3A_257 = arith.muli %arg1, %mul3A_256 : i32
    %add3A_258 = arith.constant 256 : i32
    %add3A_259 = arith.addi %mul3A_257, %add3A_258 : i32
    %mul3A_260 = arith.constant 5 : i32
    %mul3A_261 = arith.muli %arg1, %mul3A_260 : i32
    %add3A_262 = arith.constant 2 : i32
    %add3A_263 = arith.addi %mul3A_261, %add3A_262 : i32
    "tpu.region"() ({
      %run_scoped3A = tpu.sem_alloc : memref<!tpu.dma_semaphore, #tpu.memory_space<semaphore_mem>>
      %dma_start3A = arith.constant 0 : i32
      %dma_start3A_538 = tpu.memref_slice %arg5[%add3A_259, %dma_start3A] : memref<10240x128xf32, #tpu.memory_space<vmem_shared>> -> memref<128x128xf32, #tpu.memory_space<vmem_shared>>
      %dma_start3A_539 = arith.constant 0 : i32
      %dma_start3A_540 = tpu.memref_slice %arg5[%add3A_259, %dma_start3A_539] : memref<10240x128xf32, #tpu.memory_space<vmem_shared>> -> memref<128x128xf32, #tpu.memory_space<vmem_shared>>
      tpu.enqueue_dma source(%dma_start3A_540 : memref<128x128xf32, #tpu.memory_space<vmem_shared>>) target(%arg11 : memref<128x128xf32, #tpu.memory_space<vmem>>) target_semaphore(%run_scoped3A : memref<!tpu.dma_semaphore, #tpu.memory_space<semaphore_mem>>)
      %dma_wait3A = arith.constant 0 : i32
      %dma_wait3A_541 = tpu.memref_slice %arg5[%add3A_259, %dma_wait3A] : memref<10240x128xf32, #tpu.memory_space<vmem_shared>> -> memref<128x128xf32, #tpu.memory_space<vmem_shared>>
      %dma_wait3A_542 = arith.constant 0 : i32
      %dma_wait3A_543 = tpu.memref_slice %arg5[%add3A_259, %dma_wait3A_542] : memref<10240x128xf32, #tpu.memory_space<vmem_shared>> -> memref<128x128xf32, #tpu.memory_space<vmem_shared>>
      tpu.wait_dma2 semaphore(%run_scoped3A : memref<!tpu.dma_semaphore, #tpu.memory_space<semaphore_mem>>) src(%dma_wait3A_543 : memref<128x128xf32, #tpu.memory_space<vmem_shared>>) dst(%arg11 : memref<128x128xf32, #tpu.memory_space<vmem>>)
      tpu.yield
    }) : () -> ()
    "tpu.region"() ({
      %run_scoped3A = tpu.sem_alloc : memref<!tpu.dma_semaphore, #tpu.memory_space<semaphore_mem>>
      %dma_start3A = arith.constant 0 : i32
      %dma_start3A_538 = tpu.memref_slice %arg6[%add3A_263, %dma_start3A] : memref<80x128xf32, #tpu.memory_space<vmem_shared>> -> memref<1x128xf32, #tpu.memory_space<vmem_shared>>
      %dma_start3A_539 = tpu.memref_squeeze %dma_start3A_538 : memref<1x128xf32, #tpu.memory_space<vmem_shared>> -> memref<128xf32, #tpu.memory_space<vmem_shared>>
      %dma_start3A_540 = arith.constant 0 : i32
      %dma_start3A_541 = tpu.memref_slice %arg6[%add3A_263, %dma_start3A_540] : memref<80x128xf32, #tpu.memory_space<vmem_shared>> -> memref<1x128xf32, #tpu.memory_space<vmem_shared>>
      %dma_start3A_542 = tpu.memref_squeeze %dma_start3A_541 : memref<1x128xf32, #tpu.memory_space<vmem_shared>> -> memref<128xf32, #tpu.memory_space<vmem_shared>>
      tpu.enqueue_dma source(%dma_start3A_542 : memref<128xf32, #tpu.memory_space<vmem_shared>>) target(%arg12 : memref<128xf32, #tpu.memory_space<vmem>>) target_semaphore(%run_scoped3A : memref<!tpu.dma_semaphore, #tpu.memory_space<semaphore_mem>>)
      %dma_wait3A = arith.constant 0 : i32
      %dma_wait3A_543 = tpu.memref_slice %arg6[%add3A_263, %dma_wait3A] : memref<80x128xf32, #tpu.memory_space<vmem_shared>> -> memref<1x128xf32, #tpu.memory_space<vmem_shared>>
      %dma_wait3A_544 = tpu.memref_squeeze %dma_wait3A_543 : memref<1x128xf32, #tpu.memory_space<vmem_shared>> -> memref<128xf32, #tpu.memory_space<vmem_shared>>
      %dma_wait3A_545 = arith.constant 0 : i32
      %dma_wait3A_546 = tpu.memref_slice %arg6[%add3A_263, %dma_wait3A_545] : memref<80x128xf32, #tpu.memory_space<vmem_shared>> -> memref<1x128xf32, #tpu.memory_space<vmem_shared>>
      %dma_wait3A_547 = tpu.memref_squeeze %dma_wait3A_546 : memref<1x128xf32, #tpu.memory_space<vmem_shared>> -> memref<128xf32, #tpu.memory_space<vmem_shared>>
      tpu.wait_dma2 semaphore(%run_scoped3A : memref<!tpu.dma_semaphore, #tpu.memory_space<semaphore_mem>>) src(%dma_wait3A_547 : memref<128xf32, #tpu.memory_space<vmem_shared>>) dst(%arg12 : memref<128xf32, #tpu.memory_space<vmem>>)
      tpu.yield
    }) : () -> ()
    %get3A_264 = arith.constant 0 : index
    %get3A_265 = tpu.vector_load %arg12[%get3A_264] {strides = array<i32>} : memref<128xf32, #tpu.memory_space<vmem>>, vector<16xf32>,
    %max3A_266 = arith.constant 1.000000e+00 : f32
    %max3A_267 = vector.broadcast %max3A_266 : f32 to vector<16xf32>
    %max3A_268 = arith.maximumf %get3A_265, %max3A_267 : vector<16xf32>
    %div3A_269 = arith.constant 1.000000e+00 : f32
    %div3A_270 = vector.broadcast %div3A_269 : f32 to vector<16xf32>
    %div3A_271 = arith.divf %div3A_270, %max3A_268 : vector<16xf32>
    %swap3A_272 = arith.constant 0 : index
    %swap3A_273 = tpu.vector_load %arg13[%swap3A_272] {strides = array<i32>} : memref<128xf32, #tpu.memory_space<vmem>>, vector<16xf32>,
    tpu.vector_store %arg13[%swap3A_272], %div3A_271 {strides = array<i32>} : memref<128xf32, #tpu.memory_space<vmem>>, vector<16xf32>,
    %get3A_274 = arith.constant 16 : index
    %get3A_275 = tpu.vector_load %arg12[%get3A_274] {strides = array<i32>} : memref<128xf32, #tpu.memory_space<vmem>>, vector<16xf32>,
    %max3A_276 = arith.constant 1.000000e+00 : f32
    %max3A_277 = vector.broadcast %max3A_276 : f32 to vector<16xf32>
    %max3A_278 = arith.maximumf %get3A_275, %max3A_277 : vector<16xf32>
    %div3A_279 = arith.constant 1.000000e+00 : f32
    %div3A_280 = vector.broadcast %div3A_279 : f32 to vector<16xf32>
    %div3A_281 = arith.divf %div3A_280, %max3A_278 : vector<16xf32>
    %swap3A_282 = arith.constant 16 : index
    %swap3A_283 = tpu.vector_load %arg13[%swap3A_282] {strides = array<i32>} : memref<128xf32, #tpu.memory_space<vmem>>, vector<16xf32>,
    tpu.vector_store %arg13[%swap3A_282], %div3A_281 {strides = array<i32>} : memref<128xf32, #tpu.memory_space<vmem>>, vector<16xf32>,
    %get3A_284 = arith.constant 32 : index
    %get3A_285 = tpu.vector_load %arg12[%get3A_284] {strides = array<i32>} : memref<128xf32, #tpu.memory_space<vmem>>, vector<16xf32>,
    %max3A_286 = arith.constant 1.000000e+00 : f32
    %max3A_287 = vector.broadcast %max3A_286 : f32 to vector<16xf32>
    %max3A_288 = arith.maximumf %get3A_285, %max3A_287 : vector<16xf32>
    %div3A_289 = arith.constant 1.000000e+00 : f32
    %div3A_290 = vector.broadcast %div3A_289 : f32 to vector<16xf32>
    %div3A_291 = arith.divf %div3A_290, %max3A_288 : vector<16xf32>
    %swap3A_292 = arith.constant 32 : index
    %swap3A_293 = tpu.vector_load %arg13[%swap3A_292] {strides = array<i32>} : memref<128xf32, #tpu.memory_space<vmem>>, vector<16xf32>,
    tpu.vector_store %arg13[%swap3A_292], %div3A_291 {strides = array<i32>} : memref<128xf32, #tpu.memory_space<vmem>>, vector<16xf32>,
    %get3A_294 = arith.constant 48 : index
    %get3A_295 = tpu.vector_load %arg12[%get3A_294] {strides = array<i32>} : memref<128xf32, #tpu.memory_space<vmem>>, vector<16xf32>,
    %max3A_296 = arith.constant 1.000000e+00 : f32
    %max3A_297 = vector.broadcast %max3A_296 : f32 to vector<16xf32>
    %max3A_298 = arith.maximumf %get3A_295, %max3A_297 : vector<16xf32>
    %div3A_299 = arith.constant 1.000000e+00 : f32
    %div3A_300 = vector.broadcast %div3A_299 : f32 to vector<16xf32>
    %div3A_301 = arith.divf %div3A_300, %max3A_298 : vector<16xf32>
    %swap3A_302 = arith.constant 48 : index
    %swap3A_303 = tpu.vector_load %arg13[%swap3A_302] {strides = array<i32>} : memref<128xf32, #tpu.memory_space<vmem>>, vector<16xf32>,
    tpu.vector_store %arg13[%swap3A_302], %div3A_301 {strides = array<i32>} : memref<128xf32, #tpu.memory_space<vmem>>, vector<16xf32>,
    %get3A_304 = arith.constant 64 : index
    %get3A_305 = tpu.vector_load %arg12[%get3A_304] {strides = array<i32>} : memref<128xf32, #tpu.memory_space<vmem>>, vector<16xf32>,
    %max3A_306 = arith.constant 1.000000e+00 : f32
    %max3A_307 = vector.broadcast %max3A_306 : f32 to vector<16xf32>
    %max3A_308 = arith.maximumf %get3A_305, %max3A_307 : vector<16xf32>
    %div3A_309 = arith.constant 1.000000e+00 : f32
    %div3A_310 = vector.broadcast %div3A_309 : f32 to vector<16xf32>
    %div3A_311 = arith.divf %div3A_310, %max3A_308 : vector<16xf32>
    %swap3A_312 = arith.constant 64 : index
    %swap3A_313 = tpu.vector_load %arg13[%swap3A_312] {strides = array<i32>} : memref<128xf32, #tpu.memory_space<vmem>>, vector<16xf32>,
    tpu.vector_store %arg13[%swap3A_312], %div3A_311 {strides = array<i32>} : memref<128xf32, #tpu.memory_space<vmem>>, vector<16xf32>,
    %get3A_314 = arith.constant 80 : index
    %get3A_315 = tpu.vector_load %arg12[%get3A_314] {strides = array<i32>} : memref<128xf32, #tpu.memory_space<vmem>>, vector<16xf32>,
    %max3A_316 = arith.constant 1.000000e+00 : f32
    %max3A_317 = vector.broadcast %max3A_316 : f32 to vector<16xf32>
    %max3A_318 = arith.maximumf %get3A_315, %max3A_317 : vector<16xf32>
    %div3A_319 = arith.constant 1.000000e+00 : f32
    %div3A_320 = vector.broadcast %div3A_319 : f32 to vector<16xf32>
    %div3A_321 = arith.divf %div3A_320, %max3A_318 : vector<16xf32>
    %swap3A_322 = arith.constant 80 : index
    %swap3A_323 = tpu.vector_load %arg13[%swap3A_322] {strides = array<i32>} : memref<128xf32, #tpu.memory_space<vmem>>, vector<16xf32>,
    tpu.vector_store %arg13[%swap3A_322], %div3A_321 {strides = array<i32>} : memref<128xf32, #tpu.memory_space<vmem>>, vector<16xf32>,
    %get3A_324 = arith.constant 96 : index
    %get3A_325 = tpu.vector_load %arg12[%get3A_324] {strides = array<i32>} : memref<128xf32, #tpu.memory_space<vmem>>, vector<16xf32>,
    %max3A_326 = arith.constant 1.000000e+00 : f32
    %max3A_327 = vector.broadcast %max3A_326 : f32 to vector<16xf32>
    %max3A_328 = arith.maximumf %get3A_325, %max3A_327 : vector<16xf32>
    %div3A_329 = arith.constant 1.000000e+00 : f32
    %div3A_330 = vector.broadcast %div3A_329 : f32 to vector<16xf32>
    %div3A_331 = arith.divf %div3A_330, %max3A_328 : vector<16xf32>
    %swap3A_332 = arith.constant 96 : index
    %swap3A_333 = tpu.vector_load %arg13[%swap3A_332] {strides = array<i32>} : memref<128xf32, #tpu.memory_space<vmem>>, vector<16xf32>,
    tpu.vector_store %arg13[%swap3A_332], %div3A_331 {strides = array<i32>} : memref<128xf32, #tpu.memory_space<vmem>>, vector<16xf32>,
    %get3A_334 = arith.constant 112 : index
    %get3A_335 = tpu.vector_load %arg12[%get3A_334] {strides = array<i32>} : memref<128xf32, #tpu.memory_space<vmem>>, vector<16xf32>,
    %max3A_336 = arith.constant 1.000000e+00 : f32
    %max3A_337 = vector.broadcast %max3A_336 : f32 to vector<16xf32>
    %max3A_338 = arith.maximumf %get3A_335, %max3A_337 : vector<16xf32>
    %div3A_339 = arith.constant 1.000000e+00 : f32
    %div3A_340 = vector.broadcast %div3A_339 : f32 to vector<16xf32>
    %div3A_341 = arith.divf %div3A_340, %max3A_338 : vector<16xf32>
    %swap3A_342 = arith.constant 112 : index
    %swap3A_343 = tpu.vector_load %arg13[%swap3A_342] {strides = array<i32>} : memref<128xf32, #tpu.memory_space<vmem>>, vector<16xf32>,
    tpu.vector_store %arg13[%swap3A_342], %div3A_341 {strides = array<i32>} : memref<128xf32, #tpu.memory_space<vmem>>, vector<16xf32>,
    %scan3A_344 = arith.constant 0 : i32
    %scan3A_345 = arith.constant 0 : i32
    %scan3A_346 = arith.constant 128 : i32
    %scan3A_347 = arith.addi %scan3A_345, %scan3A_346 : i32
    %scan3A_348 = arith.constant 1 : i32
    scf.for %scan3A_538 = %scan3A_345 to %scan3A_347 step %scan3A_348  : i32 {
      %broadcast_in_dim3A_539 = vector.broadcast %scan3A_538 : i32 to vector<16xi32>
      %gather3A = tpu.vector_load_idx %arg13[%broadcast_in_dim3A_539] : memref<128xf32, #tpu.memory_space<vmem>>[vector<16xi32>], vector<16xf32>,
      %get3A_540 = arith.index_cast %scan3A_538 : i32 to index
      %get3A_541 = arith.constant 0 : index
      %get3A_542 = tpu.vector_load %arg11[%get3A_540, %get3A_541] {strides = array<i32>} : memref<128x128xf32, #tpu.memory_space<vmem>>, vector<16xf32>,
      %mul3A_543 = arith.mulf %get3A_542, %gather3A : vector<16xf32>
      %swap3A_544 = arith.index_cast %scan3A_538 : i32 to index
      %swap3A_545 = arith.constant 0 : index
      %swap3A_546 = tpu.vector_load %arg11[%swap3A_544, %swap3A_545] {strides = array<i32>} : memref<128x128xf32, #tpu.memory_space<vmem>>, vector<16xf32>,
      tpu.vector_store %arg11[%swap3A_544, %swap3A_545], %mul3A_543 {strides = array<i32>} : memref<128x128xf32, #tpu.memory_space<vmem>>, vector<16xf32>,
      %get3A_547 = arith.index_cast %scan3A_538 : i32 to index
      %get3A_548 = arith.constant 16 : index
      %get3A_549 = tpu.vector_load %arg11[%get3A_547, %get3A_548] {strides = array<i32>} : memref<128x128xf32, #tpu.memory_space<vmem>>, vector<16xf32>,
      %mul3A_550 = arith.mulf %get3A_549, %gather3A : vector<16xf32>
      %swap3A_551 = arith.index_cast %scan3A_538 : i32 to index
      %swap3A_552 = arith.constant 16 : index
      %swap3A_553 = tpu.vector_load %arg11[%swap3A_551, %swap3A_552] {strides = array<i32>} : memref<128x128xf32, #tpu.memory_space<vmem>>, vector<16xf32>,
      tpu.vector_store %arg11[%swap3A_551, %swap3A_552], %mul3A_550 {strides = array<i32>} : memref<128x128xf32, #tpu.memory_space<vmem>>, vector<16xf32>,
      %get3A_554 = arith.index_cast %scan3A_538 : i32 to index
      %get3A_555 = arith.constant 32 : index
      %get3A_556 = tpu.vector_load %arg11[%get3A_554, %get3A_555] {strides = array<i32>} : memref<128x128xf32, #tpu.memory_space<vmem>>, vector<16xf32>,
      %mul3A_557 = arith.mulf %get3A_556, %gather3A : vector<16xf32>
      %swap3A_558 = arith.index_cast %scan3A_538 : i32 to index
      %swap3A_559 = arith.constant 32 : index
      %swap3A_560 = tpu.vector_load %arg11[%swap3A_558, %swap3A_559] {strides = array<i32>} : memref<128x128xf32, #tpu.memory_space<vmem>>, vector<16xf32>,
      tpu.vector_store %arg11[%swap3A_558, %swap3A_559], %mul3A_557 {strides = array<i32>} : memref<128x128xf32, #tpu.memory_space<vmem>>, vector<16xf32>,
      %get3A_561 = arith.index_cast %scan3A_538 : i32 to index
      %get3A_562 = arith.constant 48 : index
      %get3A_563 = tpu.vector_load %arg11[%get3A_561, %get3A_562] {strides = array<i32>} : memref<128x128xf32, #tpu.memory_space<vmem>>, vector<16xf32>,
      %mul3A_564 = arith.mulf %get3A_563, %gather3A : vector<16xf32>
      %swap3A_565 = arith.index_cast %scan3A_538 : i32 to index
      %swap3A_566 = arith.constant 48 : index
      %swap3A_567 = tpu.vector_load %arg11[%swap3A_565, %swap3A_566] {strides = array<i32>} : memref<128x128xf32, #tpu.memory_space<vmem>>, vector<16xf32>,
      tpu.vector_store %arg11[%swap3A_565, %swap3A_566], %mul3A_564 {strides = array<i32>} : memref<128x128xf32, #tpu.memory_space<vmem>>, vector<16xf32>,
      %get3A_568 = arith.index_cast %scan3A_538 : i32 to index
      %get3A_569 = arith.constant 64 : index
      %get3A_570 = tpu.vector_load %arg11[%get3A_568, %get3A_569] {strides = array<i32>} : memref<128x128xf32, #tpu.memory_space<vmem>>, vector<16xf32>,
      %mul3A_571 = arith.mulf %get3A_570, %gather3A : vector<16xf32>
      %swap3A_572 = arith.index_cast %scan3A_538 : i32 to index
      %swap3A_573 = arith.constant 64 : index
      %swap3A_574 = tpu.vector_load %arg11[%swap3A_572, %swap3A_573] {strides = array<i32>} : memref<128x128xf32, #tpu.memory_space<vmem>>, vector<16xf32>,
      tpu.vector_store %arg11[%swap3A_572, %swap3A_573], %mul3A_571 {strides = array<i32>} : memref<128x128xf32, #tpu.memory_space<vmem>>, vector<16xf32>,
      %get3A_575 = arith.index_cast %scan3A_538 : i32 to index
      %get3A_576 = arith.constant 80 : index
      %get3A_577 = tpu.vector_load %arg11[%get3A_575, %get3A_576] {strides = array<i32>} : memref<128x128xf32, #tpu.memory_space<vmem>>, vector<16xf32>,
      %mul3A_578 = arith.mulf %get3A_577, %gather3A : vector<16xf32>
      %swap3A_579 = arith.index_cast %scan3A_538 : i32 to index
      %swap3A_580 = arith.constant 80 : index
      %swap3A_581 = tpu.vector_load %arg11[%swap3A_579, %swap3A_580] {strides = array<i32>} : memref<128x128xf32, #tpu.memory_space<vmem>>, vector<16xf32>,
      tpu.vector_store %arg11[%swap3A_579, %swap3A_580], %mul3A_578 {strides = array<i32>} : memref<128x128xf32, #tpu.memory_space<vmem>>, vector<16xf32>,
      %get3A_582 = arith.index_cast %scan3A_538 : i32 to index
      %get3A_583 = arith.constant 96 : index
      %get3A_584 = tpu.vector_load %arg11[%get3A_582, %get3A_583] {strides = array<i32>} : memref<128x128xf32, #tpu.memory_space<vmem>>, vector<16xf32>,
      %mul3A_585 = arith.mulf %get3A_584, %gather3A : vector<16xf32>
      %swap3A_586 = arith.index_cast %scan3A_538 : i32 to index
      %swap3A_587 = arith.constant 96 : index
      %swap3A_588 = tpu.vector_load %arg11[%swap3A_586, %swap3A_587] {strides = array<i32>} : memref<128x128xf32, #tpu.memory_space<vmem>>, vector<16xf32>,
      tpu.vector_store %arg11[%swap3A_586, %swap3A_587], %mul3A_585 {strides = array<i32>} : memref<128x128xf32, #tpu.memory_space<vmem>>, vector<16xf32>,
      %get3A_589 = arith.index_cast %scan3A_538 : i32 to index
      %get3A_590 = arith.constant 112 : index
      %get3A_591 = tpu.vector_load %arg11[%get3A_589, %get3A_590] {strides = array<i32>} : memref<128x128xf32, #tpu.memory_space<vmem>>, vector<16xf32>,
      %mul3A_592 = arith.mulf %get3A_591, %gather3A : vector<16xf32>
      %swap3A_593 = arith.index_cast %scan3A_538 : i32 to index
      %swap3A_594 = arith.constant 112 : index
      %swap3A_595 = tpu.vector_load %arg11[%swap3A_593, %swap3A_594] {strides = array<i32>} : memref<128x128xf32, #tpu.memory_space<vmem>>, vector<16xf32>,
      tpu.vector_store %arg11[%swap3A_593, %swap3A_594], %mul3A_592 {strides = array<i32>} : memref<128x128xf32, #tpu.memory_space<vmem>>, vector<16xf32>,
    }
    %scan3A_349 = arith.constant 128 : i32
    "tpu.region"() ({
      %run_scoped3A = tpu.sem_alloc : memref<!tpu.dma_semaphore, #tpu.memory_space<semaphore_mem>>
      %dma_start3A = tpu.memref_slice %arg4[%add3A_259, %mul3A_0] : memref<10240x256xf32, #tpu.memory_space<hbm>> -> memref<128x128xf32, #tpu.memory_space<hbm>>
      %dma_start3A_538 = tpu.memref_slice %arg4[%add3A_259, %mul3A_0] : memref<10240x256xf32, #tpu.memory_space<hbm>> -> memref<128x128xf32, #tpu.memory_space<hbm>>
      tpu.enqueue_dma source(%arg11 : memref<128x128xf32, #tpu.memory_space<vmem>>) target(%dma_start3A_538 : memref<128x128xf32, #tpu.memory_space<hbm>>) target_semaphore(%run_scoped3A : memref<!tpu.dma_semaphore, #tpu.memory_space<semaphore_mem>>)
      %dma_wait3A = tpu.memref_slice %arg4[%add3A_259, %mul3A_0] : memref<10240x256xf32, #tpu.memory_space<hbm>> -> memref<128x128xf32, #tpu.memory_space<hbm>>
      %dma_wait3A_539 = tpu.memref_slice %arg4[%add3A_259, %mul3A_0] : memref<10240x256xf32, #tpu.memory_space<hbm>> -> memref<128x128xf32, #tpu.memory_space<hbm>>
      tpu.wait_dma2 semaphore(%run_scoped3A : memref<!tpu.dma_semaphore, #tpu.memory_space<semaphore_mem>>) src(%arg11 : memref<128x128xf32, #tpu.memory_space<vmem>>) dst(%dma_wait3A_539 : memref<128x128xf32, #tpu.memory_space<hbm>>)
      tpu.yield
    }) : () -> ()
    %mul3A_350 = arith.constant 640 : i32
    %mul3A_351 = arith.muli %arg1, %mul3A_350 : i32
    %add3A_352 = arith.constant 384 : i32
    %add3A_353 = arith.addi %mul3A_351, %add3A_352 : i32
    %mul3A_354 = arith.constant 5 : i32
    %mul3A_355 = arith.muli %arg1, %mul3A_354 : i32
    %add3A_356 = arith.constant 3 : i32
    %add3A_357 = arith.addi %mul3A_355, %add3A_356 : i32
    "tpu.region"() ({
      %run_scoped3A = tpu.sem_alloc : memref<!tpu.dma_semaphore, #tpu.memory_space<semaphore_mem>>
      %dma_start3A = arith.constant 0 : i32
      %dma_start3A_538 = tpu.memref_slice %arg5[%add3A_353, %dma_start3A] : memref<10240x128xf32, #tpu.memory_space<vmem_shared>> -> memref<128x128xf32, #tpu.memory_space<vmem_shared>>
      %dma_start3A_539 = arith.constant 0 : i32
      %dma_start3A_540 = tpu.memref_slice %arg5[%add3A_353, %dma_start3A_539] : memref<10240x128xf32, #tpu.memory_space<vmem_shared>> -> memref<128x128xf32, #tpu.memory_space<vmem_shared>>
      tpu.enqueue_dma source(%dma_start3A_540 : memref<128x128xf32, #tpu.memory_space<vmem_shared>>) target(%arg11 : memref<128x128xf32, #tpu.memory_space<vmem>>) target_semaphore(%run_scoped3A : memref<!tpu.dma_semaphore, #tpu.memory_space<semaphore_mem>>)
      %dma_wait3A = arith.constant 0 : i32
      %dma_wait3A_541 = tpu.memref_slice %arg5[%add3A_353, %dma_wait3A] : memref<10240x128xf32, #tpu.memory_space<vmem_shared>> -> memref<128x128xf32, #tpu.memory_space<vmem_shared>>
      %dma_wait3A_542 = arith.constant 0 : i32
      %dma_wait3A_543 = tpu.memref_slice %arg5[%add3A_353, %dma_wait3A_542] : memref<10240x128xf32, #tpu.memory_space<vmem_shared>> -> memref<128x128xf32, #tpu.memory_space<vmem_shared>>
      tpu.wait_dma2 semaphore(%run_scoped3A : memref<!tpu.dma_semaphore, #tpu.memory_space<semaphore_mem>>) src(%dma_wait3A_543 : memref<128x128xf32, #tpu.memory_space<vmem_shared>>) dst(%arg11 : memref<128x128xf32, #tpu.memory_space<vmem>>)
      tpu.yield
    }) : () -> ()
    "tpu.region"() ({
      %run_scoped3A = tpu.sem_alloc : memref<!tpu.dma_semaphore, #tpu.memory_space<semaphore_mem>>
      %dma_start3A = arith.constant 0 : i32
      %dma_start3A_538 = tpu.memref_slice %arg6[%add3A_357, %dma_start3A] : memref<80x128xf32, #tpu.memory_space<vmem_shared>> -> memref<1x128xf32, #tpu.memory_space<vmem_shared>>
      %dma_start3A_539 = tpu.memref_squeeze %dma_start3A_538 : memref<1x128xf32, #tpu.memory_space<vmem_shared>> -> memref<128xf32, #tpu.memory_space<vmem_shared>>
      %dma_start3A_540 = arith.constant 0 : i32
      %dma_start3A_541 = tpu.memref_slice %arg6[%add3A_357, %dma_start3A_540] : memref<80x128xf32, #tpu.memory_space<vmem_shared>> -> memref<1x128xf32, #tpu.memory_space<vmem_shared>>
      %dma_start3A_542 = tpu.memref_squeeze %dma_start3A_541 : memref<1x128xf32, #tpu.memory_space<vmem_shared>> -> memref<128xf32, #tpu.memory_space<vmem_shared>>
      tpu.enqueue_dma source(%dma_start3A_542 : memref<128xf32, #tpu.memory_space<vmem_shared>>) target(%arg12 : memref<128xf32, #tpu.memory_space<vmem>>) target_semaphore(%run_scoped3A : memref<!tpu.dma_semaphore, #tpu.memory_space<semaphore_mem>>)
      %dma_wait3A = arith.constant 0 : i32
      %dma_wait3A_543 = tpu.memref_slice %arg6[%add3A_357, %dma_wait3A] : memref<80x128xf32, #tpu.memory_space<vmem_shared>> -> memref<1x128xf32, #tpu.memory_space<vmem_shared>>
      %dma_wait3A_544 = tpu.memref_squeeze %dma_wait3A_543 : memref<1x128xf32, #tpu.memory_space<vmem_shared>> -> memref<128xf32, #tpu.memory_space<vmem_shared>>
      %dma_wait3A_545 = arith.constant 0 : i32
      %dma_wait3A_546 = tpu.memref_slice %arg6[%add3A_357, %dma_wait3A_545] : memref<80x128xf32, #tpu.memory_space<vmem_shared>> -> memref<1x128xf32, #tpu.memory_space<vmem_shared>>
      %dma_wait3A_547 = tpu.memref_squeeze %dma_wait3A_546 : memref<1x128xf32, #tpu.memory_space<vmem_shared>> -> memref<128xf32, #tpu.memory_space<vmem_shared>>
      tpu.wait_dma2 semaphore(%run_scoped3A : memref<!tpu.dma_semaphore, #tpu.memory_space<semaphore_mem>>) src(%dma_wait3A_547 : memref<128xf32, #tpu.memory_space<vmem_shared>>) dst(%arg12 : memref<128xf32, #tpu.memory_space<vmem>>)
      tpu.yield
    }) : () -> ()
    %get3A_358 = arith.constant 0 : index
    %get3A_359 = tpu.vector_load %arg12[%get3A_358] {strides = array<i32>} : memref<128xf32, #tpu.memory_space<vmem>>, vector<16xf32>,
    %max3A_360 = arith.constant 1.000000e+00 : f32
    %max3A_361 = vector.broadcast %max3A_360 : f32 to vector<16xf32>
    %max3A_362 = arith.maximumf %get3A_359, %max3A_361 : vector<16xf32>
    %div3A_363 = arith.constant 1.000000e+00 : f32
    %div3A_364 = vector.broadcast %div3A_363 : f32 to vector<16xf32>
    %div3A_365 = arith.divf %div3A_364, %max3A_362 : vector<16xf32>
    %swap3A_366 = arith.constant 0 : index
    %swap3A_367 = tpu.vector_load %arg13[%swap3A_366] {strides = array<i32>} : memref<128xf32, #tpu.memory_space<vmem>>, vector<16xf32>,
    tpu.vector_store %arg13[%swap3A_366], %div3A_365 {strides = array<i32>} : memref<128xf32, #tpu.memory_space<vmem>>, vector<16xf32>,
    %get3A_368 = arith.constant 16 : index
    %get3A_369 = tpu.vector_load %arg12[%get3A_368] {strides = array<i32>} : memref<128xf32, #tpu.memory_space<vmem>>, vector<16xf32>,
    %max3A_370 = arith.constant 1.000000e+00 : f32
    %max3A_371 = vector.broadcast %max3A_370 : f32 to vector<16xf32>
    %max3A_372 = arith.maximumf %get3A_369, %max3A_371 : vector<16xf32>
    %div3A_373 = arith.constant 1.000000e+00 : f32
    %div3A_374 = vector.broadcast %div3A_373 : f32 to vector<16xf32>
    %div3A_375 = arith.divf %div3A_374, %max3A_372 : vector<16xf32>
    %swap3A_376 = arith.constant 16 : index
    %swap3A_377 = tpu.vector_load %arg13[%swap3A_376] {strides = array<i32>} : memref<128xf32, #tpu.memory_space<vmem>>, vector<16xf32>,
    tpu.vector_store %arg13[%swap3A_376], %div3A_375 {strides = array<i32>} : memref<128xf32, #tpu.memory_space<vmem>>, vector<16xf32>,
    %get3A_378 = arith.constant 32 : index
    %get3A_379 = tpu.vector_load %arg12[%get3A_378] {strides = array<i32>} : memref<128xf32, #tpu.memory_space<vmem>>, vector<16xf32>,
    %max3A_380 = arith.constant 1.000000e+00 : f32
    %max3A_381 = vector.broadcast %max3A_380 : f32 to vector<16xf32>
    %max3A_382 = arith.maximumf %get3A_379, %max3A_381 : vector<16xf32>
    %div3A_383 = arith.constant 1.000000e+00 : f32
    %div3A_384 = vector.broadcast %div3A_383 : f32 to vector<16xf32>
    %div3A_385 = arith.divf %div3A_384, %max3A_382 : vector<16xf32>
    %swap3A_386 = arith.constant 32 : index
    %swap3A_387 = tpu.vector_load %arg13[%swap3A_386] {strides = array<i32>} : memref<128xf32, #tpu.memory_space<vmem>>, vector<16xf32>,
    tpu.vector_store %arg13[%swap3A_386], %div3A_385 {strides = array<i32>} : memref<128xf32, #tpu.memory_space<vmem>>, vector<16xf32>,
    %get3A_388 = arith.constant 48 : index
    %get3A_389 = tpu.vector_load %arg12[%get3A_388] {strides = array<i32>} : memref<128xf32, #tpu.memory_space<vmem>>, vector<16xf32>,
    %max3A_390 = arith.constant 1.000000e+00 : f32
    %max3A_391 = vector.broadcast %max3A_390 : f32 to vector<16xf32>
    %max3A_392 = arith.maximumf %get3A_389, %max3A_391 : vector<16xf32>
    %div3A_393 = arith.constant 1.000000e+00 : f32
    %div3A_394 = vector.broadcast %div3A_393 : f32 to vector<16xf32>
    %div3A_395 = arith.divf %div3A_394, %max3A_392 : vector<16xf32>
    %swap3A_396 = arith.constant 48 : index
    %swap3A_397 = tpu.vector_load %arg13[%swap3A_396] {strides = array<i32>} : memref<128xf32, #tpu.memory_space<vmem>>, vector<16xf32>,
    tpu.vector_store %arg13[%swap3A_396], %div3A_395 {strides = array<i32>} : memref<128xf32, #tpu.memory_space<vmem>>, vector<16xf32>,
    %get3A_398 = arith.constant 64 : index
    %get3A_399 = tpu.vector_load %arg12[%get3A_398] {strides = array<i32>} : memref<128xf32, #tpu.memory_space<vmem>>, vector<16xf32>,
    %max3A_400 = arith.constant 1.000000e+00 : f32
    %max3A_401 = vector.broadcast %max3A_400 : f32 to vector<16xf32>
    %max3A_402 = arith.maximumf %get3A_399, %max3A_401 : vector<16xf32>
    %div3A_403 = arith.constant 1.000000e+00 : f32
    %div3A_404 = vector.broadcast %div3A_403 : f32 to vector<16xf32>
    %div3A_405 = arith.divf %div3A_404, %max3A_402 : vector<16xf32>
    %swap3A_406 = arith.constant 64 : index
    %swap3A_407 = tpu.vector_load %arg13[%swap3A_406] {strides = array<i32>} : memref<128xf32, #tpu.memory_space<vmem>>, vector<16xf32>,
    tpu.vector_store %arg13[%swap3A_406], %div3A_405 {strides = array<i32>} : memref<128xf32, #tpu.memory_space<vmem>>, vector<16xf32>,
    %get3A_408 = arith.constant 80 : index
    %get3A_409 = tpu.vector_load %arg12[%get3A_408] {strides = array<i32>} : memref<128xf32, #tpu.memory_space<vmem>>, vector<16xf32>,
    %max3A_410 = arith.constant 1.000000e+00 : f32
    %max3A_411 = vector.broadcast %max3A_410 : f32 to vector<16xf32>
    %max3A_412 = arith.maximumf %get3A_409, %max3A_411 : vector<16xf32>
    %div3A_413 = arith.constant 1.000000e+00 : f32
    %div3A_414 = vector.broadcast %div3A_413 : f32 to vector<16xf32>
    %div3A_415 = arith.divf %div3A_414, %max3A_412 : vector<16xf32>
    %swap3A_416 = arith.constant 80 : index
    %swap3A_417 = tpu.vector_load %arg13[%swap3A_416] {strides = array<i32>} : memref<128xf32, #tpu.memory_space<vmem>>, vector<16xf32>,
    tpu.vector_store %arg13[%swap3A_416], %div3A_415 {strides = array<i32>} : memref<128xf32, #tpu.memory_space<vmem>>, vector<16xf32>,
    %get3A_418 = arith.constant 96 : index
    %get3A_419 = tpu.vector_load %arg12[%get3A_418] {strides = array<i32>} : memref<128xf32, #tpu.memory_space<vmem>>, vector<16xf32>,
    %max3A_420 = arith.constant 1.000000e+00 : f32
    %max3A_421 = vector.broadcast %max3A_420 : f32 to vector<16xf32>
    %max3A_422 = arith.maximumf %get3A_419, %max3A_421 : vector<16xf32>
    %div3A_423 = arith.constant 1.000000e+00 : f32
    %div3A_424 = vector.broadcast %div3A_423 : f32 to vector<16xf32>
    %div3A_425 = arith.divf %div3A_424, %max3A_422 : vector<16xf32>
    %swap3A_426 = arith.constant 96 : index
    %swap3A_427 = tpu.vector_load %arg13[%swap3A_426] {strides = array<i32>} : memref<128xf32, #tpu.memory_space<vmem>>, vector<16xf32>,
    tpu.vector_store %arg13[%swap3A_426], %div3A_425 {strides = array<i32>} : memref<128xf32, #tpu.memory_space<vmem>>, vector<16xf32>,
    %get3A_428 = arith.constant 112 : index
    %get3A_429 = tpu.vector_load %arg12[%get3A_428] {strides = array<i32>} : memref<128xf32, #tpu.memory_space<vmem>>, vector<16xf32>,
    %max3A_430 = arith.constant 1.000000e+00 : f32
    %max3A_431 = vector.broadcast %max3A_430 : f32 to vector<16xf32>
    %max3A_432 = arith.maximumf %get3A_429, %max3A_431 : vector<16xf32>
    %div3A_433 = arith.constant 1.000000e+00 : f32
    %div3A_434 = vector.broadcast %div3A_433 : f32 to vector<16xf32>
    %div3A_435 = arith.divf %div3A_434, %max3A_432 : vector<16xf32>
    %swap3A_436 = arith.constant 112 : index
    %swap3A_437 = tpu.vector_load %arg13[%swap3A_436] {strides = array<i32>} : memref<128xf32, #tpu.memory_space<vmem>>, vector<16xf32>,
    tpu.vector_store %arg13[%swap3A_436], %div3A_435 {strides = array<i32>} : memref<128xf32, #tpu.memory_space<vmem>>, vector<16xf32>,
    %scan3A_438 = arith.constant 0 : i32
    %scan3A_439 = arith.constant 0 : i32
    %scan3A_440 = arith.constant 128 : i32
    %scan3A_441 = arith.addi %scan3A_439, %scan3A_440 : i32
    %scan3A_442 = arith.constant 1 : i32
    scf.for %scan3A_538 = %scan3A_439 to %scan3A_441 step %scan3A_442  : i32 {
      %broadcast_in_dim3A_539 = vector.broadcast %scan3A_538 : i32 to vector<16xi32>
      %gather3A = tpu.vector_load_idx %arg13[%broadcast_in_dim3A_539] : memref<128xf32, #tpu.memory_space<vmem>>[vector<16xi32>], vector<16xf32>,
      %get3A_540 = arith.index_cast %scan3A_538 : i32 to index
      %get3A_541 = arith.constant 0 : index
      %get3A_542 = tpu.vector_load %arg11[%get3A_540, %get3A_541] {strides = array<i32>} : memref<128x128xf32, #tpu.memory_space<vmem>>, vector<16xf32>,
      %mul3A_543 = arith.mulf %get3A_542, %gather3A : vector<16xf32>
      %swap3A_544 = arith.index_cast %scan3A_538 : i32 to index
      %swap3A_545 = arith.constant 0 : index
      %swap3A_546 = tpu.vector_load %arg11[%swap3A_544, %swap3A_545] {strides = array<i32>} : memref<128x128xf32, #tpu.memory_space<vmem>>, vector<16xf32>,
      tpu.vector_store %arg11[%swap3A_544, %swap3A_545], %mul3A_543 {strides = array<i32>} : memref<128x128xf32, #tpu.memory_space<vmem>>, vector<16xf32>,
      %get3A_547 = arith.index_cast %scan3A_538 : i32 to index
      %get3A_548 = arith.constant 16 : index
      %get3A_549 = tpu.vector_load %arg11[%get3A_547, %get3A_548] {strides = array<i32>} : memref<128x128xf32, #tpu.memory_space<vmem>>, vector<16xf32>,
      %mul3A_550 = arith.mulf %get3A_549, %gather3A : vector<16xf32>
      %swap3A_551 = arith.index_cast %scan3A_538 : i32 to index
      %swap3A_552 = arith.constant 16 : index
      %swap3A_553 = tpu.vector_load %arg11[%swap3A_551, %swap3A_552] {strides = array<i32>} : memref<128x128xf32, #tpu.memory_space<vmem>>, vector<16xf32>,
      tpu.vector_store %arg11[%swap3A_551, %swap3A_552], %mul3A_550 {strides = array<i32>} : memref<128x128xf32, #tpu.memory_space<vmem>>, vector<16xf32>,
      %get3A_554 = arith.index_cast %scan3A_538 : i32 to index
      %get3A_555 = arith.constant 32 : index
      %get3A_556 = tpu.vector_load %arg11[%get3A_554, %get3A_555] {strides = array<i32>} : memref<128x128xf32, #tpu.memory_space<vmem>>, vector<16xf32>,
      %mul3A_557 = arith.mulf %get3A_556, %gather3A : vector<16xf32>
      %swap3A_558 = arith.index_cast %scan3A_538 : i32 to index
      %swap3A_559 = arith.constant 32 : index
      %swap3A_560 = tpu.vector_load %arg11[%swap3A_558, %swap3A_559] {strides = array<i32>} : memref<128x128xf32, #tpu.memory_space<vmem>>, vector<16xf32>,
      tpu.vector_store %arg11[%swap3A_558, %swap3A_559], %mul3A_557 {strides = array<i32>} : memref<128x128xf32, #tpu.memory_space<vmem>>, vector<16xf32>,
      %get3A_561 = arith.index_cast %scan3A_538 : i32 to index
      %get3A_562 = arith.constant 48 : index
      %get3A_563 = tpu.vector_load %arg11[%get3A_561, %get3A_562] {strides = array<i32>} : memref<128x128xf32, #tpu.memory_space<vmem>>, vector<16xf32>,
      %mul3A_564 = arith.mulf %get3A_563, %gather3A : vector<16xf32>
      %swap3A_565 = arith.index_cast %scan3A_538 : i32 to index
      %swap3A_566 = arith.constant 48 : index
      %swap3A_567 = tpu.vector_load %arg11[%swap3A_565, %swap3A_566] {strides = array<i32>} : memref<128x128xf32, #tpu.memory_space<vmem>>, vector<16xf32>,
      tpu.vector_store %arg11[%swap3A_565, %swap3A_566], %mul3A_564 {strides = array<i32>} : memref<128x128xf32, #tpu.memory_space<vmem>>, vector<16xf32>,
      %get3A_568 = arith.index_cast %scan3A_538 : i32 to index
      %get3A_569 = arith.constant 64 : index
      %get3A_570 = tpu.vector_load %arg11[%get3A_568, %get3A_569] {strides = array<i32>} : memref<128x128xf32, #tpu.memory_space<vmem>>, vector<16xf32>,
      %mul3A_571 = arith.mulf %get3A_570, %gather3A : vector<16xf32>
      %swap3A_572 = arith.index_cast %scan3A_538 : i32 to index
      %swap3A_573 = arith.constant 64 : index
      %swap3A_574 = tpu.vector_load %arg11[%swap3A_572, %swap3A_573] {strides = array<i32>} : memref<128x128xf32, #tpu.memory_space<vmem>>, vector<16xf32>,
      tpu.vector_store %arg11[%swap3A_572, %swap3A_573], %mul3A_571 {strides = array<i32>} : memref<128x128xf32, #tpu.memory_space<vmem>>, vector<16xf32>,
      %get3A_575 = arith.index_cast %scan3A_538 : i32 to index
      %get3A_576 = arith.constant 80 : index
      %get3A_577 = tpu.vector_load %arg11[%get3A_575, %get3A_576] {strides = array<i32>} : memref<128x128xf32, #tpu.memory_space<vmem>>, vector<16xf32>,
      %mul3A_578 = arith.mulf %get3A_577, %gather3A : vector<16xf32>
      %swap3A_579 = arith.index_cast %scan3A_538 : i32 to index
      %swap3A_580 = arith.constant 80 : index
      %swap3A_581 = tpu.vector_load %arg11[%swap3A_579, %swap3A_580] {strides = array<i32>} : memref<128x128xf32, #tpu.memory_space<vmem>>, vector<16xf32>,
      tpu.vector_store %arg11[%swap3A_579, %swap3A_580], %mul3A_578 {strides = array<i32>} : memref<128x128xf32, #tpu.memory_space<vmem>>, vector<16xf32>,
      %get3A_582 = arith.index_cast %scan3A_538 : i32 to index
      %get3A_583 = arith.constant 96 : index
      %get3A_584 = tpu.vector_load %arg11[%get3A_582, %get3A_583] {strides = array<i32>} : memref<128x128xf32, #tpu.memory_space<vmem>>, vector<16xf32>,
      %mul3A_585 = arith.mulf %get3A_584, %gather3A : vector<16xf32>
      %swap3A_586 = arith.index_cast %scan3A_538 : i32 to index
      %swap3A_587 = arith.constant 96 : index
      %swap3A_588 = tpu.vector_load %arg11[%swap3A_586, %swap3A_587] {strides = array<i32>} : memref<128x128xf32, #tpu.memory_space<vmem>>, vector<16xf32>,
      tpu.vector_store %arg11[%swap3A_586, %swap3A_587], %mul3A_585 {strides = array<i32>} : memref<128x128xf32, #tpu.memory_space<vmem>>, vector<16xf32>,
      %get3A_589 = arith.index_cast %scan3A_538 : i32 to index
      %get3A_590 = arith.constant 112 : index
      %get3A_591 = tpu.vector_load %arg11[%get3A_589, %get3A_590] {strides = array<i32>} : memref<128x128xf32, #tpu.memory_space<vmem>>, vector<16xf32>,
      %mul3A_592 = arith.mulf %get3A_591, %gather3A : vector<16xf32>
      %swap3A_593 = arith.index_cast %scan3A_538 : i32 to index
      %swap3A_594 = arith.constant 112 : index
      %swap3A_595 = tpu.vector_load %arg11[%swap3A_593, %swap3A_594] {strides = array<i32>} : memref<128x128xf32, #tpu.memory_space<vmem>>, vector<16xf32>,
      tpu.vector_store %arg11[%swap3A_593, %swap3A_594], %mul3A_592 {strides = array<i32>} : memref<128x128xf32, #tpu.memory_space<vmem>>, vector<16xf32>,
    }
    %scan3A_443 = arith.constant 128 : i32
    "tpu.region"() ({
      %run_scoped3A = tpu.sem_alloc : memref<!tpu.dma_semaphore, #tpu.memory_space<semaphore_mem>>
      %dma_start3A = tpu.memref_slice %arg4[%add3A_353, %mul3A_0] : memref<10240x256xf32, #tpu.memory_space<hbm>> -> memref<128x128xf32, #tpu.memory_space<hbm>>
      %dma_start3A_538 = tpu.memref_slice %arg4[%add3A_353, %mul3A_0] : memref<10240x256xf32, #tpu.memory_space<hbm>> -> memref<128x128xf32, #tpu.memory_space<hbm>>
      tpu.enqueue_dma source(%arg11 : memref<128x128xf32, #tpu.memory_space<vmem>>) target(%dma_start3A_538 : memref<128x128xf32, #tpu.memory_space<hbm>>) target_semaphore(%run_scoped3A : memref<!tpu.dma_semaphore, #tpu.memory_space<semaphore_mem>>)
      %dma_wait3A = tpu.memref_slice %arg4[%add3A_353, %mul3A_0] : memref<10240x256xf32, #tpu.memory_space<hbm>> -> memref<128x128xf32, #tpu.memory_space<hbm>>
      %dma_wait3A_539 = tpu.memref_slice %arg4[%add3A_353, %mul3A_0] : memref<10240x256xf32, #tpu.memory_space<hbm>> -> memref<128x128xf32, #tpu.memory_space<hbm>>
      tpu.wait_dma2 semaphore(%run_scoped3A : memref<!tpu.dma_semaphore, #tpu.memory_space<semaphore_mem>>) src(%arg11 : memref<128x128xf32, #tpu.memory_space<vmem>>) dst(%dma_wait3A_539 : memref<128x128xf32, #tpu.memory_space<hbm>>)
      tpu.yield
    }) : () -> ()
    %mul3A_444 = arith.constant 640 : i32
    %mul3A_445 = arith.muli %arg1, %mul3A_444 : i32
    %add3A_446 = arith.constant 512 : i32
    %add3A_447 = arith.addi %mul3A_445, %add3A_446 : i32
    %mul3A_448 = arith.constant 5 : i32
    %mul3A_449 = arith.muli %arg1, %mul3A_448 : i32
    %add3A_450 = arith.constant 4 : i32
    %add3A_451 = arith.addi %mul3A_449, %add3A_450 : i32
    "tpu.region"() ({
      %run_scoped3A = tpu.sem_alloc : memref<!tpu.dma_semaphore, #tpu.memory_space<semaphore_mem>>
      %dma_start3A = arith.constant 0 : i32
      %dma_start3A_538 = tpu.memref_slice %arg5[%add3A_447, %dma_start3A] : memref<10240x128xf32, #tpu.memory_space<vmem_shared>> -> memref<128x128xf32, #tpu.memory_space<vmem_shared>>
      %dma_start3A_539 = arith.constant 0 : i32
      %dma_start3A_540 = tpu.memref_slice %arg5[%add3A_447, %dma_start3A_539] : memref<10240x128xf32, #tpu.memory_space<vmem_shared>> -> memref<128x128xf32, #tpu.memory_space<vmem_shared>>
      tpu.enqueue_dma source(%dma_start3A_540 : memref<128x128xf32, #tpu.memory_space<vmem_shared>>) target(%arg11 : memref<128x128xf32, #tpu.memory_space<vmem>>) target_semaphore(%run_scoped3A : memref<!tpu.dma_semaphore, #tpu.memory_space<semaphore_mem>>)
      %dma_wait3A = arith.constant 0 : i32
      %dma_wait3A_541 = tpu.memref_slice %arg5[%add3A_447, %dma_wait3A] : memref<10240x128xf32, #tpu.memory_space<vmem_shared>> -> memref<128x128xf32, #tpu.memory_space<vmem_shared>>
      %dma_wait3A_542 = arith.constant 0 : i32
      %dma_wait3A_543 = tpu.memref_slice %arg5[%add3A_447, %dma_wait3A_542] : memref<10240x128xf32, #tpu.memory_space<vmem_shared>> -> memref<128x128xf32, #tpu.memory_space<vmem_shared>>
      tpu.wait_dma2 semaphore(%run_scoped3A : memref<!tpu.dma_semaphore, #tpu.memory_space<semaphore_mem>>) src(%dma_wait3A_543 : memref<128x128xf32, #tpu.memory_space<vmem_shared>>) dst(%arg11 : memref<128x128xf32, #tpu.memory_space<vmem>>)
      tpu.yield
    }) : () -> ()
    "tpu.region"() ({
      %run_scoped3A = tpu.sem_alloc : memref<!tpu.dma_semaphore, #tpu.memory_space<semaphore_mem>>
      %dma_start3A = arith.constant 0 : i32
      %dma_start3A_538 = tpu.memref_slice %arg6[%add3A_451, %dma_start3A] : memref<80x128xf32, #tpu.memory_space<vmem_shared>> -> memref<1x128xf32, #tpu.memory_space<vmem_shared>>
      %dma_start3A_539 = tpu.memref_squeeze %dma_start3A_538 : memref<1x128xf32, #tpu.memory_space<vmem_shared>> -> memref<128xf32, #tpu.memory_space<vmem_shared>>
      %dma_start3A_540 = arith.constant 0 : i32
      %dma_start3A_541 = tpu.memref_slice %arg6[%add3A_451, %dma_start3A_540] : memref<80x128xf32, #tpu.memory_space<vmem_shared>> -> memref<1x128xf32, #tpu.memory_space<vmem_shared>>
      %dma_start3A_542 = tpu.memref_squeeze %dma_start3A_541 : memref<1x128xf32, #tpu.memory_space<vmem_shared>> -> memref<128xf32, #tpu.memory_space<vmem_shared>>
      tpu.enqueue_dma source(%dma_start3A_542 : memref<128xf32, #tpu.memory_space<vmem_shared>>) target(%arg12 : memref<128xf32, #tpu.memory_space<vmem>>) target_semaphore(%run_scoped3A : memref<!tpu.dma_semaphore, #tpu.memory_space<semaphore_mem>>)
      %dma_wait3A = arith.constant 0 : i32
      %dma_wait3A_543 = tpu.memref_slice %arg6[%add3A_451, %dma_wait3A] : memref<80x128xf32, #tpu.memory_space<vmem_shared>> -> memref<1x128xf32, #tpu.memory_space<vmem_shared>>
      %dma_wait3A_544 = tpu.memref_squeeze %dma_wait3A_543 : memref<1x128xf32, #tpu.memory_space<vmem_shared>> -> memref<128xf32, #tpu.memory_space<vmem_shared>>
      %dma_wait3A_545 = arith.constant 0 : i32
      %dma_wait3A_546 = tpu.memref_slice %arg6[%add3A_451, %dma_wait3A_545] : memref<80x128xf32, #tpu.memory_space<vmem_shared>> -> memref<1x128xf32, #tpu.memory_space<vmem_shared>>
      %dma_wait3A_547 = tpu.memref_squeeze %dma_wait3A_546 : memref<1x128xf32, #tpu.memory_space<vmem_shared>> -> memref<128xf32, #tpu.memory_space<vmem_shared>>
      tpu.wait_dma2 semaphore(%run_scoped3A : memref<!tpu.dma_semaphore, #tpu.memory_space<semaphore_mem>>) src(%dma_wait3A_547 : memref<128xf32, #tpu.memory_space<vmem_shared>>) dst(%arg12 : memref<128xf32, #tpu.memory_space<vmem>>)
      tpu.yield
    }) : () -> ()
    %get3A_452 = arith.constant 0 : index
    %get3A_453 = tpu.vector_load %arg12[%get3A_452] {strides = array<i32>} : memref<128xf32, #tpu.memory_space<vmem>>, vector<16xf32>,
    %max3A_454 = arith.constant 1.000000e+00 : f32
    %max3A_455 = vector.broadcast %max3A_454 : f32 to vector<16xf32>
    %max3A_456 = arith.maximumf %get3A_453, %max3A_455 : vector<16xf32>
    %div3A_457 = arith.constant 1.000000e+00 : f32
    %div3A_458 = vector.broadcast %div3A_457 : f32 to vector<16xf32>
    %div3A_459 = arith.divf %div3A_458, %max3A_456 : vector<16xf32>
    %swap3A_460 = arith.constant 0 : index
    %swap3A_461 = tpu.vector_load %arg13[%swap3A_460] {strides = array<i32>} : memref<128xf32, #tpu.memory_space<vmem>>, vector<16xf32>,
    tpu.vector_store %arg13[%swap3A_460], %div3A_459 {strides = array<i32>} : memref<128xf32, #tpu.memory_space<vmem>>, vector<16xf32>,
    %get3A_462 = arith.constant 16 : index
    %get3A_463 = tpu.vector_load %arg12[%get3A_462] {strides = array<i32>} : memref<128xf32, #tpu.memory_space<vmem>>, vector<16xf32>,
    %max3A_464 = arith.constant 1.000000e+00 : f32
    %max3A_465 = vector.broadcast %max3A_464 : f32 to vector<16xf32>
    %max3A_466 = arith.maximumf %get3A_463, %max3A_465 : vector<16xf32>
    %div3A_467 = arith.constant 1.000000e+00 : f32
    %div3A_468 = vector.broadcast %div3A_467 : f32 to vector<16xf32>
    %div3A_469 = arith.divf %div3A_468, %max3A_466 : vector<16xf32>
    %swap3A_470 = arith.constant 16 : index
    %swap3A_471 = tpu.vector_load %arg13[%swap3A_470] {strides = array<i32>} : memref<128xf32, #tpu.memory_space<vmem>>, vector<16xf32>,
    tpu.vector_store %arg13[%swap3A_470], %div3A_469 {strides = array<i32>} : memref<128xf32, #tpu.memory_space<vmem>>, vector<16xf32>,
    %get3A_472 = arith.constant 32 : index
    %get3A_473 = tpu.vector_load %arg12[%get3A_472] {strides = array<i32>} : memref<128xf32, #tpu.memory_space<vmem>>, vector<16xf32>,
    %max3A_474 = arith.constant 1.000000e+00 : f32
    %max3A_475 = vector.broadcast %max3A_474 : f32 to vector<16xf32>
    %max3A_476 = arith.maximumf %get3A_473, %max3A_475 : vector<16xf32>
    %div3A_477 = arith.constant 1.000000e+00 : f32
    %div3A_478 = vector.broadcast %div3A_477 : f32 to vector<16xf32>
    %div3A_479 = arith.divf %div3A_478, %max3A_476 : vector<16xf32>
    %swap3A_480 = arith.constant 32 : index
    %swap3A_481 = tpu.vector_load %arg13[%swap3A_480] {strides = array<i32>} : memref<128xf32, #tpu.memory_space<vmem>>, vector<16xf32>,
    tpu.vector_store %arg13[%swap3A_480], %div3A_479 {strides = array<i32>} : memref<128xf32, #tpu.memory_space<vmem>>, vector<16xf32>,
    %get3A_482 = arith.constant 48 : index
    %get3A_483 = tpu.vector_load %arg12[%get3A_482] {strides = array<i32>} : memref<128xf32, #tpu.memory_space<vmem>>, vector<16xf32>,
    %max3A_484 = arith.constant 1.000000e+00 : f32
    %max3A_485 = vector.broadcast %max3A_484 : f32 to vector<16xf32>
    %max3A_486 = arith.maximumf %get3A_483, %max3A_485 : vector<16xf32>
    %div3A_487 = arith.constant 1.000000e+00 : f32
    %div3A_488 = vector.broadcast %div3A_487 : f32 to vector<16xf32>
    %div3A_489 = arith.divf %div3A_488, %max3A_486 : vector<16xf32>
    %swap3A_490 = arith.constant 48 : index
    %swap3A_491 = tpu.vector_load %arg13[%swap3A_490] {strides = array<i32>} : memref<128xf32, #tpu.memory_space<vmem>>, vector<16xf32>,
    tpu.vector_store %arg13[%swap3A_490], %div3A_489 {strides = array<i32>} : memref<128xf32, #tpu.memory_space<vmem>>, vector<16xf32>,
    %get3A_492 = arith.constant 64 : index
    %get3A_493 = tpu.vector_load %arg12[%get3A_492] {strides = array<i32>} : memref<128xf32, #tpu.memory_space<vmem>>, vector<16xf32>,
    %max3A_494 = arith.constant 1.000000e+00 : f32
    %max3A_495 = vector.broadcast %max3A_494 : f32 to vector<16xf32>
    %max3A_496 = arith.maximumf %get3A_493, %max3A_495 : vector<16xf32>
    %div3A_497 = arith.constant 1.000000e+00 : f32
    %div3A_498 = vector.broadcast %div3A_497 : f32 to vector<16xf32>
    %div3A_499 = arith.divf %div3A_498, %max3A_496 : vector<16xf32>
    %swap3A_500 = arith.constant 64 : index
    %swap3A_501 = tpu.vector_load %arg13[%swap3A_500] {strides = array<i32>} : memref<128xf32, #tpu.memory_space<vmem>>, vector<16xf32>,
    tpu.vector_store %arg13[%swap3A_500], %div3A_499 {strides = array<i32>} : memref<128xf32, #tpu.memory_space<vmem>>, vector<16xf32>,
    %get3A_502 = arith.constant 80 : index
    %get3A_503 = tpu.vector_load %arg12[%get3A_502] {strides = array<i32>} : memref<128xf32, #tpu.memory_space<vmem>>, vector<16xf32>,
    %max3A_504 = arith.constant 1.000000e+00 : f32
    %max3A_505 = vector.broadcast %max3A_504 : f32 to vector<16xf32>
    %max3A_506 = arith.maximumf %get3A_503, %max3A_505 : vector<16xf32>
    %div3A_507 = arith.constant 1.000000e+00 : f32
    %div3A_508 = vector.broadcast %div3A_507 : f32 to vector<16xf32>
    %div3A_509 = arith.divf %div3A_508, %max3A_506 : vector<16xf32>
    %swap3A_510 = arith.constant 80 : index
    %swap3A_511 = tpu.vector_load %arg13[%swap3A_510] {strides = array<i32>} : memref<128xf32, #tpu.memory_space<vmem>>, vector<16xf32>,
    tpu.vector_store %arg13[%swap3A_510], %div3A_509 {strides = array<i32>} : memref<128xf32, #tpu.memory_space<vmem>>, vector<16xf32>,
    %get3A_512 = arith.constant 96 : index
    %get3A_513 = tpu.vector_load %arg12[%get3A_512] {strides = array<i32>} : memref<128xf32, #tpu.memory_space<vmem>>, vector<16xf32>,
    %max3A_514 = arith.constant 1.000000e+00 : f32
    %max3A_515 = vector.broadcast %max3A_514 : f32 to vector<16xf32>
    %max3A_516 = arith.maximumf %get3A_513, %max3A_515 : vector<16xf32>
    %div3A_517 = arith.constant 1.000000e+00 : f32
    %div3A_518 = vector.broadcast %div3A_517 : f32 to vector<16xf32>
    %div3A_519 = arith.divf %div3A_518, %max3A_516 : vector<16xf32>
    %swap3A_520 = arith.constant 96 : index
    %swap3A_521 = tpu.vector_load %arg13[%swap3A_520] {strides = array<i32>} : memref<128xf32, #tpu.memory_space<vmem>>, vector<16xf32>,
    tpu.vector_store %arg13[%swap3A_520], %div3A_519 {strides = array<i32>} : memref<128xf32, #tpu.memory_space<vmem>>, vector<16xf32>,
    %get3A_522 = arith.constant 112 : index
    %get3A_523 = tpu.vector_load %arg12[%get3A_522] {strides = array<i32>} : memref<128xf32, #tpu.memory_space<vmem>>, vector<16xf32>,
    %max3A_524 = arith.constant 1.000000e+00 : f32
    %max3A_525 = vector.broadcast %max3A_524 : f32 to vector<16xf32>
    %max3A_526 = arith.maximumf %get3A_523, %max3A_525 : vector<16xf32>
    %div3A_527 = arith.constant 1.000000e+00 : f32
    %div3A_528 = vector.broadcast %div3A_527 : f32 to vector<16xf32>
    %div3A_529 = arith.divf %div3A_528, %max3A_526 : vector<16xf32>
    %swap3A_530 = arith.constant 112 : index
    %swap3A_531 = tpu.vector_load %arg13[%swap3A_530] {strides = array<i32>} : memref<128xf32, #tpu.memory_space<vmem>>, vector<16xf32>,
    tpu.vector_store %arg13[%swap3A_530], %div3A_529 {strides = array<i32>} : memref<128xf32, #tpu.memory_space<vmem>>, vector<16xf32>,
    %scan3A_532 = arith.constant 0 : i32
    %scan3A_533 = arith.constant 0 : i32
    %scan3A_534 = arith.constant 128 : i32
    %scan3A_535 = arith.addi %scan3A_533, %scan3A_534 : i32
    %scan3A_536 = arith.constant 1 : i32
    scf.for %scan3A_538 = %scan3A_533 to %scan3A_535 step %scan3A_536  : i32 {
      %broadcast_in_dim3A_539 = vector.broadcast %scan3A_538 : i32 to vector<16xi32>
      %gather3A = tpu.vector_load_idx %arg13[%broadcast_in_dim3A_539] : memref<128xf32, #tpu.memory_space<vmem>>[vector<16xi32>], vector<16xf32>,
      %get3A_540 = arith.index_cast %scan3A_538 : i32 to index
      %get3A_541 = arith.constant 0 : index
      %get3A_542 = tpu.vector_load %arg11[%get3A_540, %get3A_541] {strides = array<i32>} : memref<128x128xf32, #tpu.memory_space<vmem>>, vector<16xf32>,
      %mul3A_543 = arith.mulf %get3A_542, %gather3A : vector<16xf32>
      %swap3A_544 = arith.index_cast %scan3A_538 : i32 to index
      %swap3A_545 = arith.constant 0 : index
      %swap3A_546 = tpu.vector_load %arg11[%swap3A_544, %swap3A_545] {strides = array<i32>} : memref<128x128xf32, #tpu.memory_space<vmem>>, vector<16xf32>,
      tpu.vector_store %arg11[%swap3A_544, %swap3A_545], %mul3A_543 {strides = array<i32>} : memref<128x128xf32, #tpu.memory_space<vmem>>, vector<16xf32>,
      %get3A_547 = arith.index_cast %scan3A_538 : i32 to index
      %get3A_548 = arith.constant 16 : index
      %get3A_549 = tpu.vector_load %arg11[%get3A_547, %get3A_548] {strides = array<i32>} : memref<128x128xf32, #tpu.memory_space<vmem>>, vector<16xf32>,
      %mul3A_550 = arith.mulf %get3A_549, %gather3A : vector<16xf32>
      %swap3A_551 = arith.index_cast %scan3A_538 : i32 to index
      %swap3A_552 = arith.constant 16 : index
      %swap3A_553 = tpu.vector_load %arg11[%swap3A_551, %swap3A_552] {strides = array<i32>} : memref<128x128xf32, #tpu.memory_space<vmem>>, vector<16xf32>,
      tpu.vector_store %arg11[%swap3A_551, %swap3A_552], %mul3A_550 {strides = array<i32>} : memref<128x128xf32, #tpu.memory_space<vmem>>, vector<16xf32>,
      %get3A_554 = arith.index_cast %scan3A_538 : i32 to index
      %get3A_555 = arith.constant 32 : index
      %get3A_556 = tpu.vector_load %arg11[%get3A_554, %get3A_555] {strides = array<i32>} : memref<128x128xf32, #tpu.memory_space<vmem>>, vector<16xf32>,
      %mul3A_557 = arith.mulf %get3A_556, %gather3A : vector<16xf32>
      %swap3A_558 = arith.index_cast %scan3A_538 : i32 to index
      %swap3A_559 = arith.constant 32 : index
      %swap3A_560 = tpu.vector_load %arg11[%swap3A_558, %swap3A_559] {strides = array<i32>} : memref<128x128xf32, #tpu.memory_space<vmem>>, vector<16xf32>,
      tpu.vector_store %arg11[%swap3A_558, %swap3A_559], %mul3A_557 {strides = array<i32>} : memref<128x128xf32, #tpu.memory_space<vmem>>, vector<16xf32>,
      %get3A_561 = arith.index_cast %scan3A_538 : i32 to index
      %get3A_562 = arith.constant 48 : index
      %get3A_563 = tpu.vector_load %arg11[%get3A_561, %get3A_562] {strides = array<i32>} : memref<128x128xf32, #tpu.memory_space<vmem>>, vector<16xf32>,
      %mul3A_564 = arith.mulf %get3A_563, %gather3A : vector<16xf32>
      %swap3A_565 = arith.index_cast %scan3A_538 : i32 to index
      %swap3A_566 = arith.constant 48 : index
      %swap3A_567 = tpu.vector_load %arg11[%swap3A_565, %swap3A_566] {strides = array<i32>} : memref<128x128xf32, #tpu.memory_space<vmem>>, vector<16xf32>,
      tpu.vector_store %arg11[%swap3A_565, %swap3A_566], %mul3A_564 {strides = array<i32>} : memref<128x128xf32, #tpu.memory_space<vmem>>, vector<16xf32>,
      %get3A_568 = arith.index_cast %scan3A_538 : i32 to index
      %get3A_569 = arith.constant 64 : index
      %get3A_570 = tpu.vector_load %arg11[%get3A_568, %get3A_569] {strides = array<i32>} : memref<128x128xf32, #tpu.memory_space<vmem>>, vector<16xf32>,
      %mul3A_571 = arith.mulf %get3A_570, %gather3A : vector<16xf32>
      %swap3A_572 = arith.index_cast %scan3A_538 : i32 to index
      %swap3A_573 = arith.constant 64 : index
      %swap3A_574 = tpu.vector_load %arg11[%swap3A_572, %swap3A_573] {strides = array<i32>} : memref<128x128xf32, #tpu.memory_space<vmem>>, vector<16xf32>,
      tpu.vector_store %arg11[%swap3A_572, %swap3A_573], %mul3A_571 {strides = array<i32>} : memref<128x128xf32, #tpu.memory_space<vmem>>, vector<16xf32>,
      %get3A_575 = arith.index_cast %scan3A_538 : i32 to index
      %get3A_576 = arith.constant 80 : index
      %get3A_577 = tpu.vector_load %arg11[%get3A_575, %get3A_576] {strides = array<i32>} : memref<128x128xf32, #tpu.memory_space<vmem>>, vector<16xf32>,
      %mul3A_578 = arith.mulf %get3A_577, %gather3A : vector<16xf32>
      %swap3A_579 = arith.index_cast %scan3A_538 : i32 to index
      %swap3A_580 = arith.constant 80 : index
      %swap3A_581 = tpu.vector_load %arg11[%swap3A_579, %swap3A_580] {strides = array<i32>} : memref<128x128xf32, #tpu.memory_space<vmem>>, vector<16xf32>,
      tpu.vector_store %arg11[%swap3A_579, %swap3A_580], %mul3A_578 {strides = array<i32>} : memref<128x128xf32, #tpu.memory_space<vmem>>, vector<16xf32>,
      %get3A_582 = arith.index_cast %scan3A_538 : i32 to index
      %get3A_583 = arith.constant 96 : index
      %get3A_584 = tpu.vector_load %arg11[%get3A_582, %get3A_583] {strides = array<i32>} : memref<128x128xf32, #tpu.memory_space<vmem>>, vector<16xf32>,
      %mul3A_585 = arith.mulf %get3A_584, %gather3A : vector<16xf32>
      %swap3A_586 = arith.index_cast %scan3A_538 : i32 to index
      %swap3A_587 = arith.constant 96 : index
      %swap3A_588 = tpu.vector_load %arg11[%swap3A_586, %swap3A_587] {strides = array<i32>} : memref<128x128xf32, #tpu.memory_space<vmem>>, vector<16xf32>,
      tpu.vector_store %arg11[%swap3A_586, %swap3A_587], %mul3A_585 {strides = array<i32>} : memref<128x128xf32, #tpu.memory_space<vmem>>, vector<16xf32>,
      %get3A_589 = arith.index_cast %scan3A_538 : i32 to index
      %get3A_590 = arith.constant 112 : index
      %get3A_591 = tpu.vector_load %arg11[%get3A_589, %get3A_590] {strides = array<i32>} : memref<128x128xf32, #tpu.memory_space<vmem>>, vector<16xf32>,
      %mul3A_592 = arith.mulf %get3A_591, %gather3A : vector<16xf32>
      %swap3A_593 = arith.index_cast %scan3A_538 : i32 to index
      %swap3A_594 = arith.constant 112 : index
      %swap3A_595 = tpu.vector_load %arg11[%swap3A_593, %swap3A_594] {strides = array<i32>} : memref<128x128xf32, #tpu.memory_space<vmem>>, vector<16xf32>,
      tpu.vector_store %arg11[%swap3A_593, %swap3A_594], %mul3A_592 {strides = array<i32>} : memref<128x128xf32, #tpu.memory_space<vmem>>, vector<16xf32>,
    }
    %scan3A_537 = arith.constant 128 : i32
    "tpu.region"() ({
      %run_scoped3A = tpu.sem_alloc : memref<!tpu.dma_semaphore, #tpu.memory_space<semaphore_mem>>
      %dma_start3A = tpu.memref_slice %arg4[%add3A_447, %mul3A_0] : memref<10240x256xf32, #tpu.memory_space<hbm>> -> memref<128x128xf32, #tpu.memory_space<hbm>>
      %dma_start3A_538 = tpu.memref_slice %arg4[%add3A_447, %mul3A_0] : memref<10240x256xf32, #tpu.memory_space<hbm>> -> memref<128x128xf32, #tpu.memory_space<hbm>>
      tpu.enqueue_dma source(%arg11 : memref<128x128xf32, #tpu.memory_space<vmem>>) target(%dma_start3A_538 : memref<128x128xf32, #tpu.memory_space<hbm>>) target_semaphore(%run_scoped3A : memref<!tpu.dma_semaphore, #tpu.memory_space<semaphore_mem>>)
      %dma_wait3A = tpu.memref_slice %arg4[%add3A_447, %mul3A_0] : memref<10240x256xf32, #tpu.memory_space<hbm>> -> memref<128x128xf32, #tpu.memory_space<hbm>>
      %dma_wait3A_539 = tpu.memref_slice %arg4[%add3A_447, %mul3A_0] : memref<10240x256xf32, #tpu.memory_space<hbm>> -> memref<128x128xf32, #tpu.memory_space<hbm>>
      tpu.wait_dma2 semaphore(%run_scoped3A : memref<!tpu.dma_semaphore, #tpu.memory_space<semaphore_mem>>) src(%arg11 : memref<128x128xf32, #tpu.memory_space<vmem>>) dst(%dma_wait3A_539 : memref<128x128xf32, #tpu.memory_space<hbm>>)
      tpu.yield
    }) : () -> ()
    return
  }
}

</mosaic_0001>

<sc_bundles>
// kernel: kernel.3.cloned.1.call-start
scs
__scs_entry_jumppad:
0x0: {  	(pc) =	sbr.rel $0x88, $3  }
0x1: {  	(tag) =	ssettag $0x0;
	lr =	simm.s32 $0x1  }
0x2: {  	[smem:$0x3F9F] =	sst lr;
	_ =	strace $0xD0000000  }
0x3: {  	_ = 	snop  }
0x4: {  	_ = 	snop  }
0x5: {  	_ = 	snop  }
0x6: {  	_ = 	snop  }
0x7: {  	_ = 	snop  }
__scs_overlays_trampoline_lowered:
0x8: {  	[smem:$0x3FAE] =	sst s0  }
0x9: {  	[smem:$0x3FAF] =	sst s1  }
0xa: {  	[smem:$0x3FB0] =	sst s2  }
0xb: {  	[smem:$0x3FB1] =	sst s3  }
0xc: {  	[smem:$0x3FB2] =	sst s4  }
0xd: {  	[smem:$0x3FB3] =	sst s5  }
0xe: {  	[smem:$0x3FB4] =	sst s6  }
0xf: {  	[smem:$0x3FB5] =	sst s7  }
0x10: {  	[smem:$0x3FB6] =	sst s8  }
0x11: {  	[smem:$0x3FB7] =	sst s9;
	s0 =	simm.s32 @!p0 $0x0  }
0x12: {  	s1 =	sld [smem:$0x3F9D];
	s0 =	simm.s32 @p0 $0x1  }
0x13: {  	[smem:$0x3FB8] =	sst s0;
	s0 =	simm.s32 @!p1 $0x0  }
0x14: {  	s2 =	sld [smem:$0x3F9C];
	s0 =	simm.s32 @p1 $0x1  }
0x15: {  	[smem:$0x3FB9] =	sst s0;
	s0 =	simm.s32 @!p2 $0x0  }
0x16: {  	s3 =	sld [smem:$0x3FDB];
	s0 =	simm.s32 @p2 $0x1  }
0x17: {  	s4 =	simm.s32 $0x1BF5;
	[smem:$0x3FBB] =	sst s0  }
0x18: {  	s0 =	sld [smem:$0x3F9E];
	_ =	swait.ge [sflag:s4], $0x0  }
0x19: {  	s7 =	sld [smem:$0x3F9F]  }
0x1a: {  	s8 =	sadd.s32 $0xFFFFE003, lr  }
0x1b: {  	s9 =	sadd.s32 $0xFFFFFEF7, lr;
	s5 =	simm.s32 $0xFFFFFFFF;
	p2 =	slt.u32 s8, $0xFFFFF086  }
0x1c: {  	p1 =	slt.u32 s9, $0xF7A;
	s5 =	simm.s32 @!p2 $0x0  }
0x1d: {  	s5 =	simm.s32 @p1 $0x1;
	p0 =	seq.s32 s7, s2  }
0x1e: {  	s7 =	smul.u32 @!p0 $0xF7A, s2;
	p2 =	seq.s32 @!p0 s5, $0x0  }
0x1f: {  	s9 =	smul.u32 $0xF7A, s1;
	s8 =	simm.s32 @!p0 $0x1BF5;
	p2 =	por !p2, p0  }
0x20: {  	[sflag:s8] =	ssyncset.s32 @!p0 $0xFFFFF086;
	s6 =	sadd.s32 @!p0 s3, s7;
	s7 =	simm.s32 @!p0 $0x108  }
0x21: {  	s3 =	sadd.s32 s3, s9;
	s6 =	sadd.s32 @!p0 $0x88, s6;
	s7 =	simm.s32 @p2 $0x1082  }
0x22: {  	[simem:s7], [sflag:s8] =	dma.local @!p0 [hbm:s6], $0xF7A  }
0x23: {  	s9 =	sor.u32 $0xD0000000, s2;
	s6 =	simm.s32 $0x108;
	_ =	swait.ge @!p0 [sflag:s8], $0x0  }
0x24: {  	s3 =	sadd.s32 $0x88, s3;
	s6 =	simm.s32 @!p1 $0x1082;
	[sflag:s4] =	ssyncset.s32 $0xFFFFF086  }
0x25: {  	[simem:s6], [sflag:s4] =	dma.local [hbm:s3], $0xF7A  }
0x26: {  	[smem:$0x3F9F] =	sst s1;
	(tag) =	ssettag s2;
	_ =	strace s9  }
0x27: {  	s1 =	sld [smem:$0x3FAF]  }
0x28: {  	s2 =	sld [smem:$0x3FB0]  }
0x29: {  	s4 =	sld [smem:$0x3FB2]  }
0x2a: {  	p0 =	seq.s32 s5, $0x0;
	s5 =	sld [smem:$0x3FB3]  }
0x2b: {  	s6 =	sld [smem:$0x3FB4]  }
0x2c: {  	s7 =	sld [smem:$0x3FB5]  }
0x2d: {  	s3 =	simm.s32 $0x108;
	s8 =	sld [smem:$0x3FB6]  }
0x2e: {  	s3 =	simm.s32 @!p0 $0x1082;
	s9 =	sld [smem:$0x3FB7]  }
0x2f: {  	lr =	sadd.s32 s0, s3;
	s0 =	sld [smem:$0x3FAE]  }
0x30: {  	s3 =	sld [smem:$0x3FB1]  }
0x31: {  	[smem:$0x3FBA] =	sst s10  }
0x32: {  	s10 =	sld [smem:$0x3FB8];
	_ =	sdelay $0x3  }
0x33: {  	p0 =	seq.s32 s10, $0x1;
	s10 =	sld [smem:$0x3FBA];
	_ =	sdelay $0x3  }
0x34: {  	[smem:$0x3FBA] =	sst s10  }
0x35: {  	s10 =	sld [smem:$0x3FB9];
	_ =	sdelay $0x3  }
0x36: {  	p1 =	seq.s32 s10, $0x1;
	s10 =	sld [smem:$0x3FBA];
	_ =	sdelay $0x3  }
0x37: {  	[smem:$0x3FBA] =	sst s10  }
0x38: {  	s10 =	sld [smem:$0x3FBB]  }
0x39: {  	_ = 	snop;
	(pc) =	sbr.ind lr, $3  }
0x3a: {  	_ = 	snop  }
0x3b: {  	_ = 	snop  }
0x3c: {  	p2 =	seq.s32 s10, $0x1;
	s10 =	sld [smem:$0x3FBA]  }
0x3d: {  	_ =	shalt  }
0x3e: {  	_ =	shalt  }
0x3f: {  	_ =	shalt  }
0x40: {  	_ =	shalt  }
0x41: {  	_ =	shalt  }
0x42: {  	_ =	shalt  }
0x43: {  	_ =	shalt  }
0x44: {  	_ =	shalt  }
0x45: {  	_ =	shalt  }
0x46: {  	_ =	shalt  }
0x47: {  	_ =	shalt  }
0x48: {  	_ =	shalt  }
0x49: {  	_ =	shalt  }
0x4a: {  	_ =	shalt  }
0x4b: {  	_ =	shalt  }
0x4c: {  	_ =	shalt  }
0x4d: {  	_ =	shalt  }
0x4e: {  	_ =	shalt  }
0x4f: {  	_ =	shalt  }
0x50: {  	_ =	shalt  }
0x51: {  	_ =	shalt  }
0x52: {  	_ =	shalt  }
0x53: {  	_ =	shalt  }
0x54: {  	_ =	shalt  }
0x55: {  	_ =	shalt  }
0x56: {  	_ =	shalt  }
0x57: {  	_ =	shalt  }
0x58: {  	_ =	shalt  }
0x59: {  	_ =	shalt  }
0x5a: {  	_ =	shalt  }
0x5b: {  	_ =	shalt  }
0x5c: {  	_ =	shalt  }
0x5d: {  	_ =	shalt  }
0x5e: {  	_ =	shalt  }
0x5f: {  	_ =	shalt  }
0x60: {  	_ =	shalt  }
0x61: {  	_ =	shalt  }
0x62: {  	_ =	shalt  }
0x63: {  	_ =	shalt  }
0x64: {  	_ =	shalt  }
0x65: {  	_ =	shalt  }
0x66: {  	_ =	shalt  }
0x67: {  	_ =	shalt  }
0x68: {  	_ =	shalt  }
0x69: {  	_ =	shalt  }
0x6a: {  	_ =	shalt  }
0x6b: {  	_ =	shalt  }
0x6c: {  	_ =	shalt  }
0x6d: {  	_ =	shalt  }
0x6e: {  	_ =	shalt  }
0x6f: {  	_ =	shalt  }
0x70: {  	_ =	shalt  }
0x71: {  	_ =	shalt  }
0x72: {  	_ =	shalt  }
0x73: {  	_ =	shalt  }
0x74: {  	_ =	shalt  }
0x75: {  	_ =	shalt  }
0x76: {  	_ =	shalt  }
0x77: {  	_ =	shalt  }
0x78: {  	_ =	shalt  }
0x79: {  	_ =	shalt  }
0x7a: {  	_ =	shalt  }
0x7b: {  	_ =	shalt  }
0x7c: {  	_ =	shalt  }
0x7d: {  	_ =	shalt  }
0x7e: {  	_ =	shalt  }
0x7f: {  	_ =	shalt  }
0x80: {  	_ =	shalt  }
0x81: {  	_ =	shalt  }
0x82: {  	_ =	shalt  }
0x83: {  	_ =	shalt  }
0x84: {  	_ =	shalt  }
0x85: {  	_ =	shalt  }
0x86: {  	_ =	shalt  }
0x87: {  	_ =	shalt  }
.Lfunc_end0:
.L_simem_size_0:
called_computation_lowered:
.L_overlay_start_0:
0x88: {  	s2 =	sld [smem:$0x3FD9]  }
0x89: {  	s3 =	sld [smem:$0x3FFE];
	_ =	sdelay $0x1  }
0x8a: {  	s1 =	srdreg.scid  }
0x8b: {  	s0 =	sand.u32 $0x1, s1  }
0x8c: {  	s17 =	sshll.u32 s0, $0xA;
	s2 =	sadd.s32 s3, s2  }
0x8d: {  	s2 =	sadd.s32 s2, s17  }
0x8e: {  	[smem:$0x3FC6] =	sst s2  }
0x8f: {  	_ = 	snop  }
0x90: {  	s2 =	sld [smem:$0x3FC9]  }
0x91: {  	s18 =	sld [smem:$0x3FC8];
	(tm) =	ssettm $0x1  }
0x92: {  	s4 =	sld [smem:$0x3FFB];
	_ =	sdelay $0x3  }
0x93: {  	_ =	strace s4  }
0x94: {  	s4 =	sld [smem:$0x3FFC];
	_ =	sdelay $0x3  }
0x95: {  	_ =	strace s4  }
0x96: {  	s4 =	sld [smem:$0x3FFD];
	_ =	sdelay $0x3  }
0x97: {  	_ =	strace s4  }
0x98: {  	_ =	strace $0x8FFFFFFF  }
0x99: {  	s19 =	sld [smem:$0x3FDB];
	_ =	sdelay $0x1  }
0x9a: {  	s5 =	simm.s32 $_scs_section_size  }
0x9b: {  	s6 =	simm.s32 $_size__tile_overlayer_lowered;
	s7 =	simm.s32 $_tile_overlayer_lowered  }
0x9c: {  	s22 =	simm.s32 $0x1BFF;
	s21 =	sshll.u32 s7, $0x1;
	s4 =	sadd.s32 s5, s19  }
0x9d: {  	s8 =	simm.s32 $0x0;
	s20 =	sshll.u32 s6, $0x1;
	s6 =	sadd.s32 s21, s4  }
0x9e: {  	[timem:s8], [sflag:s22] =	dma.local [hbm:s6], s20  }
0x9f: {  	_ =	swait.ge [sflag:s22], s20  }
0xa0: {  	s5 =	ssub.s32 $0x0, s20;
	[sflag:s22] =	ssyncset.done $0x0  }
0xa1: {  	[sflag:s22] =	ssyncadd.s32 s5;
	_ =	sdelay $0x1  }
0xa2: {  	s23 =	simm.s32 $0x1B8B  }
0xa3: {  	_ =	swait.ge [sflag:s23], $0x1  }
0xa4: {  	[sflag:s23] =	ssyncset.done $0x0  }
0xa5: {  	s25 =	simm.s32 $0x1B8E;
	s24 =	sld [smem:$0x3FFE];
	[sflag:s23] =	ssyncadd.s32 $0xFFFFFFFF  }
0xa6: {  	s26 =	simm.s32 $execute0_lowered;
	[smem:$0x3FD2] =	sst s25  }
0xa7: {  	s6 =	sshll.u32 s26, $0x1;
	_ =	strace $0x80000046;
	[dreg:$0x1] =	wrdreg $0xFFFFFFFF  }
0xa8: {  	s28 =	simm.s32 $_size_execute0_lowered;
	s4 =	sadd.s32 s4, s6;
	[dreg:$0x0] =	wrdreg $0x0  }
0xa9: {  	s6 =	sshll.u32 s28, $0x1;
	[dreg:$0x2] =	wrdreg s4  }
0xaa: {  	[dreg:$0x3] =	wrdreg s6  }
0xab: {  	[dreg:$0x4] =	wrdreg $0xC0  }
0xac: {  	_ =	task [dreg:s8], $0x5FFFF  }
0xad: {  	[dreg:$0x1] =	wrdreg $0xFFFFFFFF  }
0xae: {  	[dreg:$0x0] =	wrdreg $0x60  }
0xaf: {  	[dreg:$0x2] =	wrdreg s2  }
0xb0: {  	[dreg:$0x3] =	wrdreg s18  }
0xb1: {  	[dreg:$0x4] =	wrdreg s24  }
0xb2: {  	[dreg:$0x5] =	wrdreg $0x0  }
0xb3: {  	[dreg:$0x6] =	wrdreg $0x140000  }
0xb4: {  	[dreg:$0x7] =	wrdreg $0x9  }
0xb5: {  	_ =	task.clear_ibuf [dreg:s8], $0x8FFFF;
	_ =	strace $0x90000046  }
0xb6: {  	s29 =	simm.s32 $0x9;
	_ =	strace $0x80000048  }
0xb7: {  	_ =	swait.ge [sflag:s29], $0x1  }
0xb8: {  	[sflag:s29] =	ssyncadd.s32 $0xFFFFFFFF  }
0xb9: {  	_ =	strace $0x90000048  }
0xba: {  	_ =	sfence  }
0xbb: {  	s30 =	sld [smem:$0x0];
	_ =	sdelay $0x2  }
0xbc: {  	s31 =	sshll.u32 s1, $0xD;
	s1 =	sshrl.u32 s1, $0x2  }
0xbd: {  	s3 =	sand.u32 $0x4000, s31;
	s1 =	sadd.s32 s1, s30  }
0xbe: {  	s0 =	sor.u32 s3, s0;
	s1 =	sshll.u32 s1, $0x11  }
0xbf: {  	s0 =	sor.u32 s1, s0  }
0xc0: {  	s0 =	sadd.s32 $0x8F2B, s0  }
0xc1: {  	[sflag:s0] =	ssyncadd.remote.s32 $0x1  }
0xc2: {  	_ =	sfence.sel $0xFFFF  }
0xc3: {  	[dreg:$0x0] =	wrdreg $0xFFFFFFFF;
	(pc) =	sbr.abs _section_cstart, $3  }
0xc4: {  	[dreg:$0x1] =	wrdreg $0xFFFFFFFF  }
0xc5: {  	_ =	task.clear_ibuf [dreg:s8], $0x2FFFF;
	_ =	strace $0x9FFFFFFF  }
0xc6: {  	(tm) =	ssettm $0x7FFFFFFF  }
0xc7: {  	_ =	shalt  }
tec
execute0_lowered:
.L_overlay_start_1:
0x0: {  	(tag) =	ssettag $0x1  }
0x1: {  	s2 =	rddreg [dreg:$0x0]  }
0x2: {  	s0 =	rddreg [dreg:$0x1]  }
0x3: {  	s4 =	rddreg [dreg:$0x2]  }
0x4: {  	s1 =	rddreg [dreg:$0x3]  }
0x5: {  	s21 =	rddreg [dreg:$0x4];
	s3 =	simm.s32 $0x0;
	s10 =	stileid.u32  }
0x6: {  	s5 =	srdreg.scid;
	s28 =	simm.s32 $0x14300;
	s7 =	smul.u32 $0x280, s10  }
0x7: {  	s29 =	simm.s32 $0x50;
	s30 =	simm.s32 $0x16B00;
	s6 =	smul.u32 $0x50000, s10  }
0x8: {  	s31 =	simm.s32 $0x1D400;
	[smem:$0x7FF] =	sst s3;
	s17 =	smul.u32 $0xA00, s10  }
0x9: {  	s9 =	sand.u32 $0x1, s5;
	s11 =	sadd.s32 $0x400, s4;
	s18 =	smul.u32 $0x28000, s10  }
0xa: {  	p0 =	sne.s32 s10, $0x0;
	_ =	strace $0x80000047;
	s5 =	ssub.s32 $0x2, s9  }
0xb: {  	s19 =	sshll.u32 s9, $0xA;
	s20 =	sshll.u32 s9, $0x7;
	s22 =	sshrl.u32 s5, $0x1  }
0xc: {  	s13 =	sadd.s32 $0x80, s7;
	s14 =	sadd.s32 $0x100, s7;
	s23 =	sshrl.u32 s6, $0x2  }
0xd: {  	s15 =	sadd.s32 $0x180, s7;
	s16 =	sadd.s32 $0x200, s7;
	s17 =	sshrl.u32 s17, $0x2  }
0xe: {  	s18 =	sor.u32 s19, s18;
	s12 =	ssub.s32 s5, s22;
	s24 =	sshll.u32 s13, $0x7  }
0xf: {  	s25 =	sshll.u32 s14, $0x7;
	s4 =	sadd.s32 s23, s1;
	s26 =	sshll.u32 s15, $0x7  }
0x10: {  	s8 =	sshll.u32 s16, $0x7;
	s9 =	sadd.s32 s17, s21;
	s17 =	sshrl.u32 s18, $0x3  }
0x11: {  	s13 =	sshll.u32 s13, $0x8;
	s14 =	sshll.u32 s14, $0x8;
	s23 =	sshll.u32 s15, $0x8  }
0x12: {  	s16 =	sshll.u32 s16, $0x8;
	s5 =	sadd.s32 s24, s1;
	s6 =	sadd.s32 s25, s1  }
0x13: {  	s7 =	sadd.s32 s26, s1;
	s8 =	sadd.s32 s8, s1;
	s17 =	sadd.s32 s11, s17  }
0x14: {  	s13 =	sor.u32 s19, s13;
	s21 =	sadd.s32 $0x80, s9;
	s14 =	sor.u32 s19, s14  }
0x15: {  	s22 =	sadd.s32 $0x100, s9;
	s15 =	sadd.s32 $0x180, s9;
	s25 =	smul.u32 $0x4E200, s10  }
0x16: {  	s16 =	sor.u32 s19, s16;
	s26 =	smul.u32 $0x4E2, s10;
	[dreg:$0x6] =	wrdreg s17  }
0x17: {  	s18 =	sadd.s32 $0x200, s9;
	[dreg:$0x7] =	wrdreg s21;
	s13 =	sshrl.u32 s13, $0x3  }
0x18: {  	[dreg:$0x9] =	wrdreg s22;
	s14 =	sshrl.u32 s14, $0x3;
	s17 =	sor.u32 s19, s23  }
0x19: {  	s24 =	sshrl.u32 s16, $0x3;
	s19 =	smax.u32 s12, $0x1;
	s22 =	simm.s32 $0x19380  }
0x1a: {  	s23 =	simm.s32 $0x1;
	s13 =	sadd.s32 s11, s13;
	s14 =	sadd.s32 s11, s14  }
0x1b: {  	s17 =	sshrl.u32 s17, $0x3;
	s2 =	sadd.s32 s25, s2;
	s21 =	sadd.s32 s26, s0  }
0x1c: {  	v0 =	vlaneseq.u32;
	s25 =	simm.s32 $0x400;
	s26 =	simm.s32 $0x800;
	s0 =	simm.s32 $0x1D380  }
0x1d: {  	v1 =	vimm.f32 $0.0e+00;
	v6 =	vimm.f32 $1.000000000e+00;
	v2 =	vor.u32 $0x10, v0;
	[dreg:$0x8] =	wrdreg s13;
	s16 =	sadd.s32 s11, s17;
	s17 =	sadd.s32 s11, s24  }
0x1e: {  	v3 =	vor.u32 $0x20, v0;
	v4 =	vor.u32 $0x30, v0;
	v5 =	vor.u32 $0x40, v0;
	s20 =	sadd.s32 s20, s2;
	s24 =	simm.s32 $0x14280;
	s2 =	simm.s32 $0x0  }
.LBB2_1:
0x1f: {  	s10 =	simm.s32 $0x0;
	s11 =	simm.s32 $0x200  }
.LBB2_2:
0x20: {  	p1 =	sne.s32 s11, $0xFE00;
	[tilespmem:s10+$0x193F0] =	vst v1  }
0x21: {  	[tilespmem:s10+$0x19380] =	vst v1  }
0x22: {  	[tilespmem:s10+$0x19390] =	vst v1  }
.Ltmp0:
0x23: {  	[tilespmem:s10+$0x193A0] =	vst v1;
	(pc) =	sbr.rel @p1 .LBB2_2-.Ltmp0, $4  }
0x24: {  	[tilespmem:s10+$0x193B0] =	vst v1  }
0x25: {  	[tilespmem:s10+$0x193C0] =	vst v1  }
0x26: {  	[tilespmem:s10+$0x193D0] =	vst v1  }
0x27: {  	[tilespmem:s10+$0x193E0] =	vst v1;
	s10 =	sshra.s32 s11, $0x2;
	s11 =	sadd.s32 $0x200, s11  }
0x28: {  	[tilespmem:s10+$0x193F0] =	vst v1  }
0x29: {  	[tilespmem:s10+$0x19380] =	vst v1  }
0x2a: {  	[tilespmem:s10+$0x19390] =	vst v1  }
0x2b: {  	[tilespmem:s10+$0x193A0] =	vst v1  }
0x2c: {  	[tilespmem:s10+$0x193B0] =	vst v1  }
0x2d: {  	[tilespmem:s10+$0x193C0] =	vst v1  }
0x2e: {  	[tilespmem:s10+$0x193D0] =	vst v1  }
0x2f: {  	[tilespmem:s10+$0x193E0] =	vst v1;
	s10 =	simm.s32 $0x0;
	s11 =	simm.s32 $0x200  }
.LBB2_4:
0x30: {  	p1 =	sne.s32 s11, $0x9E00;
	[tilespmem:s10+$0x16B70] =	vst v1  }
0x31: {  	[tilespmem:s10+$0x16B00] =	vst v1  }
0x32: {  	[tilespmem:s10+$0x16B10] =	vst v1  }
.Ltmp1:
0x33: {  	[tilespmem:s10+$0x16B20] =	vst v1;
	(pc) =	sbr.rel @p1 .LBB2_4-.Ltmp1, $4  }
0x34: {  	[tilespmem:s10+$0x16B30] =	vst v1  }
0x35: {  	[tilespmem:s10+$0x16B40] =	vst v1  }
0x36: {  	[tilespmem:s10+$0x16B50] =	vst v1  }
0x37: {  	[tilespmem:s10+$0x16B60] =	vst v1;
	s10 =	sshra.s32 s11, $0x2;
	s11 =	sadd.s32 $0x200, s11  }
0x38: {  	[tilespmem:s10+$0x16B70] =	vst v1  }
0x39: {  	[tilespmem:s10+$0x16B00] =	vst v1  }
0x3a: {  	[tilespmem:s10+$0x16B10] =	vst v1  }
0x3b: {  	[tilespmem:s10+$0x16B20] =	vst v1  }
0x3c: {  	[tilespmem:s10+$0x16B30] =	vst v1  }
0x3d: {  	[tilespmem:s10+$0x16B40] =	vst v1  }
0x3e: {  	[tilespmem:s10+$0x16B50] =	vst v1  }
0x3f: {  	[tilespmem:s10+$0x16B60] =	vst v1  }
0x40: {  	[tilespmem:$0x19300] =	vst v0  }
0x41: {  	[tilespmem:$0x19310] =	vst v2  }
0x42: {  	[tilespmem:$0x19320] =	vst v3  }
0x43: {  	[tilespmem:$0x19330] =	vst v4  }
0x44: {  	[tilespmem:$0x19340] =	vst v5  }
0x45: {  	[spmem:s4] =	stream.linear.scatter [tilespmem:s22], [sflag:$0x1], $0x4000, $0x38;
	[tilespmem:$0x1D480] =	vst v63  }
0x46: {  	_ =	swait.ge [sflag:s23], $0x4000  }
0x47: {  	[sflag:s23] =	ssyncset.done $0x0  }
0x48: {  	[sflag:s23] =	ssyncadd.s32 $0xFFFFC000  }
0x49: {  	[spmem:s5] =	stream.linear.scatter [tilespmem:s22], [sflag:$0x1], $0x4000, $0x38;
	[tilespmem:$0x1D480] =	vst v63  }
0x4a: {  	_ =	swait.ge [sflag:s23], $0x4000  }
0x4b: {  	[sflag:s23] =	ssyncset.done $0x0  }
0x4c: {  	[sflag:s23] =	ssyncadd.s32 $0xFFFFC000  }
0x4d: {  	[spmem:s6] =	stream.linear.scatter [tilespmem:s22], [sflag:$0x1], $0x4000, $0x38;
	[tilespmem:$0x1D480] =	vst v63  }
0x4e: {  	_ =	swait.ge [sflag:s23], $0x4000  }
0x4f: {  	[sflag:s23] =	ssyncset.done $0x0  }
0x50: {  	[sflag:s23] =	ssyncadd.s32 $0xFFFFC000  }
0x51: {  	[spmem:s7] =	stream.linear.scatter [tilespmem:s22], [sflag:$0x1], $0x4000, $0x38;
	[tilespmem:$0x1D480] =	vst v63  }
0x52: {  	_ =	swait.ge [sflag:s23], $0x4000  }
0x53: {  	[sflag:s23] =	ssyncset.done $0x0  }
0x54: {  	[sflag:s23] =	ssyncadd.s32 $0xFFFFC000  }
0x55: {  	[spmem:s8] =	stream.linear.scatter [tilespmem:s22], [sflag:$0x1], $0x4000, $0x38;
	[tilespmem:$0x1D480] =	vst v63  }
0x56: {  	_ =	swait.ge [sflag:s23], $0x4000  }
0x57: {  	[sflag:s23] =	ssyncset.done $0x0  }
0x58: {  	[sflag:s23] =	ssyncadd.s32 $0xFFFFC000  }
0x59: {  	s10 =	simm.s32 @!p0 $0x16B00;
	s11 =	rddreg [dreg:$0x4]  }
0x5a: {  	[spmem:s11] =	stream.linear.scatter @!p0 [tilespmem:s10], [sflag:$0x1], $0x2800, $0x38;
	[tilespmem:$0x1D480] =	vst v63  }
0x5b: {  	s10 =	simm.s32 @!p0 $0x1  }
0x5c: {  	_ =	swait.ge @!p0 [sflag:s10], $0x2800  }
0x5d: {  	[sflag:s10] =	ssyncset.done @!p0 $0x0  }
0x5e: {  	[sflag:s10] =	ssyncadd.s32 @!p0 $0xFFFFD800  }
0x5f: {  	s11 =	smov.u32 s20;
	s10 =	simm.s32 $0x0;
	[bflag:$0x0] =	sbarrier.arrive $0xFFFF  }
.LBB2_6:
0x60: {  	s12 =	sadd.s32 s10, s21  }
0x61: {  	[tilespmem:s24], [sflag:$0x1] =	stream.linear.gather [hbm4b:s12+s3], $0x50, $0x38;
	[tilespmem:$0x1D480] =	vst v63  }
0x62: {  	_ =	swait.ge [sflag:s23], $0x50  }
0x63: {  	[sflag:s23] =	ssyncset.done $0x0  }
0x64: {  	[sflag:s23] =	ssyncadd.s32 $0xFFFFFFB0  }
0x65: {  	[tilespmem:s28], [sflag:$0x1] =	stream.strided.gather [hbm4b:s11+s25], $0x2800, s26, s25, $0x38;
	[tilespmem:$0x1D480] =	vst v63  }
0x66: {  	_ =	swait.ge [sflag:s23], $0x2800  }
0x67: {  	[sflag:s23] =	ssyncset.done $0x0  }
0x68: {  	[sflag:s23] =	ssyncadd.s32 $0xFFFFD800  }
0x69: {  	[spmem:s1] =	stream.indirect.scatter.add.f32 [tilespmem:s28], [sflag:$0x1], $0x80, s24, s29, $0xb8;
	[tilespmem:$0x1D480] =	vst v63  }
0x6a: {  	_ =	swait.ge [sflag:s23], $0x2800  }
0x6b: {  	[sflag:s23] =	ssyncset.done $0x0  }
0x6c: {  	[sflag:s23] =	ssyncadd.s32 $0xFFFFD800  }
0x6d: {  	v7 =	vld [tilespmem:$0x14280];
	_ =	sdelay $0x7  }
0x6e: {  	[tilespmem:v7+s30+$0x0] =	vst.idx.add.f32.msk $0xffff, v6  }
0x6f: {  	v7 =	vld [tilespmem:$0x14290];
	_ =	sdelay $0x7  }
0x70: {  	[tilespmem:v7+s30+$0x0] =	vst.idx.add.f32.msk $0xffff, v6  }
0x71: {  	v7 =	vld [tilespmem:$0x142A0];
	_ =	sdelay $0x7  }
0x72: {  	[tilespmem:v7+s30+$0x0] =	vst.idx.add.f32.msk $0xffff, v6  }
0x73: {  	v7 =	vld [tilespmem:$0x142B0];
	_ =	sdelay $0x7  }
0x74: {  	[tilespmem:v7+s30+$0x0] =	vst.idx.add.f32.msk $0xffff, v6  }
0x75: {  	v7 =	vld [tilespmem:$0x142C0];
	_ =	sdelay $0x2  }
0x76: {  	p1 =	sne.s32 s10, $0x4D8  }
.Ltmp2:
0x77: {  	_ = 	snop;
	(pc) =	sbr.rel @p1 .LBB2_6-.Ltmp2, $2  }
0x78: {  	_ =	sdelay $0x2  }
0x79: {  	s10 =	sadd.s32 $0xA, s10;
	s11 =	sadd.s32 $0xA00, s11;
	[tilespmem:v7+s30+$0x0] =	vst.idx.add.f32.msk $0xffff, v6  }
0x7a: {  	s10 =	rddreg [dreg:$0x4];
	s11 =	simm.s32 $0x19300  }
0x7b: {  	[spmem:s10] =	stream.indirect.scatter.add.f32 [tilespmem:s30], [sflag:$0x1], $0x80, s11, s29, $0xb8;
	[tilespmem:$0x1D480] =	vst v63  }
0x7c: {  	_ =	swait.ge [sflag:s23], $0x2800  }
0x7d: {  	[sflag:s23] =	ssyncset.done $0x0  }
0x7e: {  	[sflag:s23] =	ssyncadd.s32 $0xFFFFD800  }
0x7f: {  	[bflag:$0x0] =	sbarrier.arrive $0xFFFF  }
0x80: {  	[tilespmem:s22], [sflag:$0x1] =	stream.linear.gather [spmem:s4], $0x4000, $0x38;
	[tilespmem:$0x1D480] =	vst v63  }
0x81: {  	_ =	swait.ge [sflag:s23], $0x4000  }
0x82: {  	[sflag:s23] =	ssyncset.done $0x0  }
0x83: {  	[sflag:s23] =	ssyncadd.s32 $0xFFFFC000  }
0x84: {  	[tilespmem:s0], [sflag:$0x1] =	stream.linear.gather [spmem:s9], $0x80, $0x38;
	[tilespmem:$0x1D480] =	vst v63  }
0x85: {  	_ =	swait.ge [sflag:s23], $0x80  }
0x86: {  	[sflag:s23] =	ssyncset.done $0x0  }
0x87: {  	[sflag:s23] =	ssyncadd.s32 $0xFFFFFF80  }
0x88: {  	v7 =	vld [tilespmem:$0x1D380]  }
0x89: {  	v8 =	vld [tilespmem:$0x1D390]  }
0x8a: {  	v9 =	vld [tilespmem:$0x1D3A0]  }
0x8b: {  	v10 =	vld [tilespmem:$0x1D3B0]  }
0x8c: {  	v11 =	vld [tilespmem:$0x1D3C0]  }
0x8d: {  	v12 =	vld [tilespmem:$0x1D3D0];
	v7 =	vmax.f32 v7, $1.000000000e+00  }
0x8e: {  	(erf) = vrcp.f32 v7;
	v7 =	vmax.f32 v8, $1.000000000e+00;
	v8 =	vld [tilespmem:$0x1D3E0]  }
0x8f: {  	(erf) = vrcp.f32 v7;
	v7 =	vmax.f32 v9, $1.000000000e+00;
	v9 =	vld [tilespmem:$0x1D3F0]  }
0x90: {  	(erf) = vrcp.f32 v7;
	v7 =	vmax.f32 v10, $1.000000000e+00  }
0x91: {  	(erf) = vrcp.f32 v7;
	v7 =	vmax.f32 v11, $1.000000000e+00  }
0x92: {  	(erf) = vrcp.f32 v7;
	v7 =	vmax.f32 v12, $1.000000000e+00  }
0x93: {  	(erf) = vrcp.f32 v7;
	v7 =	vmax.f32 v8, $1.000000000e+00  }
0x94: {  	(erf) = vrcp.f32 v7;
	v7 =	vmax.f32 v9, $1.000000000e+00  }
0x95: {  	(erf) = vrcp.f32 v7;
	_ =	sdelay $0x1  }
0x96: {  	v7 =	vpop (erf)  }
0x97: {  	v8 =	vpop (erf);
	[tilespmem:$0x1D400] =	vst v7  }
0x98: {  	v7 =	vpop (erf);
	[tilespmem:$0x1D410] =	vst v8  }
0x99: {  	v8 =	vpop (erf);
	[tilespmem:$0x1D420] =	vst v7  }
0x9a: {  	v7 =	vpop (erf);
	[tilespmem:$0x1D430] =	vst v8  }
0x9b: {  	v8 =	vpop (erf);
	[tilespmem:$0x1D440] =	vst v7  }
0x9c: {  	s13 =	simm.s32 $0x0;
	v7 =	vpop (erf);
	[tilespmem:$0x1D450] =	vst v8  }
0x9d: {  	v8 =	vmov s13;
	[tilespmem:$0x1D460] =	vst v7;
	v7 =	vpop (erf)  }
0x9e: {  	s10 =	simm.s32 $0x193C0;
	[tilespmem:$0x1D470] =	vst v7  }
0x9f: {  	v11 =	vld [tilespmem:s10+$0x30]  }
0xa0: {  	v14 =	vld [tilespmem:s10+$0x10]  }
0xa1: {  	v12 =	vld [tilespmem:s10+$0xFFFFFFC0]  }
0xa2: {  	v8 =	vld.idx.msk [tilespmem:v8+s31+$0x0], $0xffff  }
0xa3: {  	v16 =	vld [tilespmem:s10+$0xFFFFFFE0]  }
0xa4: {  	v7 =	vld [tilespmem:s10+$0xFFFFFFF0]  }
0xa5: {  	v9 =	vld [tilespmem:s10+$0x20]  }
0xa6: {  	v10 =	vld [tilespmem:s10+$0xFFFFFFD0]  }
0xa7: {  	v15 =	vmul.f32 v11, v8;
	v11 =	vld [tilespmem:s10+$0x0]  }
0xa8: {  	v13 =	vmul.f32 v12, v8  }
0xa9: {  	s12 =	simm.s32 $0x193C0;
	s11 =	simm.s32 $0x1;
	v12 =	vmul.f32 v16, v8;
	v14 =	vmul.f32 v14, v8  }
.LBB2_8:
0xaa: {  	p1 =	sne.s32 s11, $0x7F  }
0xab: {  	v10 =	vmul.f32 v10, v8;
	v9 =	vmul.f32 v9, v8;
	[tilespmem:s10+$0x30] =	vst v15;
	s12 =	sadd.s32 $0x80, s12;
	s13 =	smov.u32 s11;
	s11 =	sadd.s32 $0x1, s11  }
0xac: {  	[tilespmem:s10+$0xFFFFFFC0] =	vst v13;
	v13 =	vmul.f32 v7, v8;
	v8 =	vmul.f32 v11, v8  }
0xad: {  	[tilespmem:s10+$0x10] =	vst v14  }
0xae: {  	v11 =	vmov s13;
	[tilespmem:s10+$0xFFFFFFE0] =	vst v12  }
0xaf: {  	v7 =	vld [tilespmem:s12+$0xFFFFFFF0];
	[tilespmem:s10+$0xFFFFFFF0] =	vst v13  }
0xb0: {  	v12 =	vld [tilespmem:s12+$0x30];
	[tilespmem:s10+$0x0] =	vst v8  }
0xb1: {  	v14 =	vld [tilespmem:s12+$0x10];
	[tilespmem:s10+$0x20] =	vst v9  }
0xb2: {  	v13 =	vld [tilespmem:s12+$0xFFFFFFC0];
	[tilespmem:s10+$0xFFFFFFD0] =	vst v10;
	s10 =	smov.u32 s12  }
0xb3: {  	v8 =	vld.idx.msk [tilespmem:v11+s31+$0x0], $0xffff  }
0xb4: {  	v16 =	vld [tilespmem:s12+$0xFFFFFFE0]  }
0xb5: {  	v9 =	vld [tilespmem:s12+$0x20]  }
.Ltmp3:
0xb6: {  	v10 =	vld [tilespmem:s12+$0xFFFFFFD0];
	(pc) =	sbr.rel @p1 .LBB2_8-.Ltmp3, $3  }
0xb7: {  	v11 =	vld [tilespmem:s12+$0x0];
	_ =	sdelay $0x1  }
0xb8: {  	v13 =	vmul.f32 v13, v8;
	v15 =	vmul.f32 v12, v8  }
0xb9: {  	v14 =	vmul.f32 v14, v8;
	v12 =	vmul.f32 v16, v8  }
0xba: {  	[tilespmem:s10+$0x30] =	vst v15  }
0xbb: {  	[tilespmem:s10+$0xFFFFFFC0] =	vst v13  }
0xbc: {  	v7 =	vmul.f32 v7, v8;
	[tilespmem:s10+$0x10] =	vst v14  }
0xbd: {  	v9 =	vmul.f32 v9, v8;
	[tilespmem:s10+$0xFFFFFFE0] =	vst v12  }
0xbe: {  	v11 =	vmul.f32 v11, v8;
	[tilespmem:s10+$0xFFFFFFF0] =	vst v7  }
0xbf: {  	v7 =	vmul.f32 v10, v8;
	[tilespmem:s10+$0x20] =	vst v9  }
0xc0: {  	[tilespmem:s10+$0x0] =	vst v11  }
0xc1: {  	s11 =	rddreg [dreg:$0x6];
	[tilespmem:s10+$0xFFFFFFD0] =	vst v7  }
0xc2: {  	[hbm4b:s11+s25] =	stream.strided.scatter [tilespmem:s22], [sflag:$0x1], $0x4000, s26, s25, $0x38;
	[tilespmem:$0x1D480] =	vst v63  }
0xc3: {  	_ =	swait.ge [sflag:s23], $0x4000  }
0xc4: {  	[sflag:s23] =	ssyncset.done $0x0  }
0xc5: {  	[sflag:s23] =	ssyncadd.s32 $0xFFFFC000  }
0xc6: {  	[tilespmem:s22], [sflag:$0x1] =	stream.linear.gather [spmem:s5], $0x4000, $0x38;
	[tilespmem:$0x1D480] =	vst v63  }
0xc7: {  	_ =	swait.ge [sflag:s23], $0x4000  }
0xc8: {  	[sflag:s23] =	ssyncset.done $0x0  }
0xc9: {  	s12 =	rddreg [dreg:$0x7];
	[sflag:s23] =	ssyncadd.s32 $0xFFFFC000  }
0xca: {  	[tilespmem:s0], [sflag:$0x1] =	stream.linear.gather [spmem:s12], $0x80, $0x38;
	[tilespmem:$0x1D480] =	vst v63  }
0xcb: {  	_ =	swait.ge [sflag:s23], $0x80  }
0xcc: {  	[sflag:s23] =	ssyncset.done $0x0  }
0xcd: {  	[sflag:s23] =	ssyncadd.s32 $0xFFFFFF80  }
0xce: {  	v7 =	vld [tilespmem:$0x1D380]  }
0xcf: {  	v8 =	vld [tilespmem:$0x1D390]  }
0xd0: {  	v9 =	vld [tilespmem:$0x1D3A0]  }
0xd1: {  	v10 =	vld [tilespmem:$0x1D3B0]  }
0xd2: {  	v11 =	vld [tilespmem:$0x1D3C0]  }
0xd3: {  	v12 =	vld [tilespmem:$0x1D3D0];
	v7 =	vmax.f32 v7, $1.000000000e+00  }
0xd4: {  	(erf) = vrcp.f32 v7;
	v7 =	vmax.f32 v8, $1.000000000e+00;
	v8 =	vld [tilespmem:$0x1D3E0]  }
0xd5: {  	(erf) = vrcp.f32 v7;
	v7 =	vmax.f32 v9, $1.000000000e+00;
	v9 =	vld [tilespmem:$0x1D3F0]  }
0xd6: {  	(erf) = vrcp.f32 v7;
	v7 =	vmax.f32 v10, $1.000000000e+00  }
0xd7: {  	(erf) = vrcp.f32 v7;
	v7 =	vmax.f32 v11, $1.000000000e+00  }
0xd8: {  	(erf) = vrcp.f32 v7;
	v7 =	vmax.f32 v12, $1.000000000e+00  }
0xd9: {  	(erf) = vrcp.f32 v7;
	v7 =	vmax.f32 v8, $1.000000000e+00  }
0xda: {  	(erf) = vrcp.f32 v7;
	v7 =	vmax.f32 v9, $1.000000000e+00  }
0xdb: {  	(erf) = vrcp.f32 v7;
	_ =	sdelay $0x1  }
0xdc: {  	v7 =	vpop (erf)  }
0xdd: {  	v8 =	vpop (erf);
	[tilespmem:$0x1D400] =	vst v7  }
0xde: {  	v7 =	vpop (erf);
	[tilespmem:$0x1D410] =	vst v8  }
0xdf: {  	v8 =	vpop (erf);
	[tilespmem:$0x1D420] =	vst v7  }
0xe0: {  	v7 =	vpop (erf);
	[tilespmem:$0x1D430] =	vst v8  }
0xe1: {  	v8 =	vpop (erf);
	[tilespmem:$0x1D440] =	vst v7  }
0xe2: {  	s13 =	simm.s32 $0x0;
	v7 =	vpop (erf);
	[tilespmem:$0x1D450] =	vst v8  }
0xe3: {  	v8 =	vmov s13;
	[tilespmem:$0x1D460] =	vst v7;
	v7 =	vpop (erf)  }
0xe4: {  	s10 =	simm.s32 $0x193C0;
	[tilespmem:$0x1D470] =	vst v7  }
0xe5: {  	v11 =	vld [tilespmem:s10+$0x30]  }
0xe6: {  	v14 =	vld [tilespmem:s10+$0x10]  }
0xe7: {  	v12 =	vld [tilespmem:s10+$0xFFFFFFC0]  }
0xe8: {  	v8 =	vld.idx.msk [tilespmem:v8+s31+$0x0], $0xffff  }
0xe9: {  	v16 =	vld [tilespmem:s10+$0xFFFFFFE0]  }
0xea: {  	v7 =	vld [tilespmem:s10+$0xFFFFFFF0]  }
0xeb: {  	v9 =	vld [tilespmem:s10+$0x20]  }
0xec: {  	v10 =	vld [tilespmem:s10+$0xFFFFFFD0]  }
0xed: {  	v15 =	vmul.f32 v11, v8;
	v11 =	vld [tilespmem:s10+$0x0]  }
0xee: {  	v13 =	vmul.f32 v12, v8  }
0xef: {  	s11 =	simm.s32 $0x1;
	s12 =	simm.s32 $0x193C0;
	v12 =	vmul.f32 v16, v8;
	v14 =	vmul.f32 v14, v8  }
.LBB2_10:
0xf0: {  	p1 =	sne.s32 s11, $0x7F  }
0xf1: {  	v10 =	vmul.f32 v10, v8;
	v9 =	vmul.f32 v9, v8;
	[tilespmem:s10+$0x30] =	vst v15;
	s12 =	sadd.s32 $0x80, s12;
	s13 =	smov.u32 s11;
	s11 =	sadd.s32 $0x1, s11  }
0xf2: {  	[tilespmem:s10+$0xFFFFFFC0] =	vst v13;
	v13 =	vmul.f32 v7, v8;
	v8 =	vmul.f32 v11, v8  }
0xf3: {  	[tilespmem:s10+$0x10] =	vst v14  }
0xf4: {  	v11 =	vmov s13;
	[tilespmem:s10+$0xFFFFFFE0] =	vst v12  }
0xf5: {  	v7 =	vld [tilespmem:s12+$0xFFFFFFF0];
	[tilespmem:s10+$0xFFFFFFF0] =	vst v13  }
0xf6: {  	v12 =	vld [tilespmem:s12+$0x30];
	[tilespmem:s10+$0x0] =	vst v8  }
0xf7: {  	v14 =	vld [tilespmem:s12+$0x10];
	[tilespmem:s10+$0x20] =	vst v9  }
0xf8: {  	v13 =	vld [tilespmem:s12+$0xFFFFFFC0];
	[tilespmem:s10+$0xFFFFFFD0] =	vst v10;
	s10 =	smov.u32 s12  }
0xf9: {  	v8 =	vld.idx.msk [tilespmem:v11+s31+$0x0], $0xffff  }
0xfa: {  	v16 =	vld [tilespmem:s12+$0xFFFFFFE0]  }
0xfb: {  	v9 =	vld [tilespmem:s12+$0x20]  }
.Ltmp4:
0xfc: {  	v10 =	vld [tilespmem:s12+$0xFFFFFFD0];
	(pc) =	sbr.rel @p1 .LBB2_10-.Ltmp4, $3  }
0xfd: {  	v11 =	vld [tilespmem:s12+$0x0];
	_ =	sdelay $0x1  }
0xfe: {  	v13 =	vmul.f32 v13, v8;
	v15 =	vmul.f32 v12, v8  }
0xff: {  	v14 =	vmul.f32 v14, v8;
	v12 =	vmul.f32 v16, v8  }
0x100: {  	[tilespmem:s10+$0x30] =	vst v15  }
0x101: {  	[tilespmem:s10+$0xFFFFFFC0] =	vst v13  }
0x102: {  	v7 =	vmul.f32 v7, v8;
	[tilespmem:s10+$0x10] =	vst v14  }
0x103: {  	v9 =	vmul.f32 v9, v8;
	[tilespmem:s10+$0xFFFFFFE0] =	vst v12  }
0x104: {  	v11 =	vmul.f32 v11, v8;
	[tilespmem:s10+$0xFFFFFFF0] =	vst v7  }
0x105: {  	v7 =	vmul.f32 v10, v8;
	[tilespmem:s10+$0x20] =	vst v9  }
0x106: {  	[tilespmem:s10+$0x0] =	vst v11  }
0x107: {  	s11 =	rddreg [dreg:$0x8];
	[tilespmem:s10+$0xFFFFFFD0] =	vst v7  }
0x108: {  	[hbm4b:s11+s25] =	stream.strided.scatter [tilespmem:s22], [sflag:$0x1], $0x4000, s26, s25, $0x38;
	[tilespmem:$0x1D480] =	vst v63  }
0x109: {  	_ =	swait.ge [sflag:s23], $0x4000  }
0x10a: {  	[sflag:s23] =	ssyncset.done $0x0  }
0x10b: {  	[sflag:s23] =	ssyncadd.s32 $0xFFFFC000  }
0x10c: {  	[tilespmem:s22], [sflag:$0x1] =	stream.linear.gather [spmem:s6], $0x4000, $0x38;
	[tilespmem:$0x1D480] =	vst v63  }
0x10d: {  	_ =	swait.ge [sflag:s23], $0x4000  }
0x10e: {  	[sflag:s23] =	ssyncset.done $0x0  }
0x10f: {  	s12 =	rddreg [dreg:$0x9];
	[sflag:s23] =	ssyncadd.s32 $0xFFFFC000  }
0x110: {  	[tilespmem:s0], [sflag:$0x1] =	stream.linear.gather [spmem:s12], $0x80, $0x38;
	[tilespmem:$0x1D480] =	vst v63  }
0x111: {  	_ =	swait.ge [sflag:s23], $0x80  }
0x112: {  	[sflag:s23] =	ssyncset.done $0x0  }
0x113: {  	[sflag:s23] =	ssyncadd.s32 $0xFFFFFF80  }
0x114: {  	v7 =	vld [tilespmem:$0x1D380]  }
0x115: {  	v8 =	vld [tilespmem:$0x1D390]  }
0x116: {  	v9 =	vld [tilespmem:$0x1D3A0]  }
0x117: {  	v10 =	vld [tilespmem:$0x1D3B0]  }
0x118: {  	v11 =	vld [tilespmem:$0x1D3C0]  }
0x119: {  	v12 =	vld [tilespmem:$0x1D3D0];
	v7 =	vmax.f32 v7, $1.000000000e+00  }
0x11a: {  	(erf) = vrcp.f32 v7;
	v7 =	vmax.f32 v8, $1.000000000e+00;
	v8 =	vld [tilespmem:$0x1D3E0]  }
0x11b: {  	(erf) = vrcp.f32 v7;
	v7 =	vmax.f32 v9, $1.000000000e+00;
	v9 =	vld [tilespmem:$0x1D3F0]  }
0x11c: {  	(erf) = vrcp.f32 v7;
	v7 =	vmax.f32 v10, $1.000000000e+00  }
0x11d: {  	(erf) = vrcp.f32 v7;
	v7 =	vmax.f32 v11, $1.000000000e+00  }
0x11e: {  	(erf) = vrcp.f32 v7;
	v7 =	vmax.f32 v12, $1.000000000e+00  }
0x11f: {  	(erf) = vrcp.f32 v7;
	v7 =	vmax.f32 v8, $1.000000000e+00  }
0x120: {  	(erf) = vrcp.f32 v7;
	v7 =	vmax.f32 v9, $1.000000000e+00  }
0x121: {  	(erf) = vrcp.f32 v7;
	_ =	sdelay $0x1  }
0x122: {  	v7 =	vpop (erf)  }
0x123: {  	v8 =	vpop (erf);
	[tilespmem:$0x1D400] =	vst v7  }
0x124: {  	v7 =	vpop (erf);
	[tilespmem:$0x1D410] =	vst v8  }
0x125: {  	v8 =	vpop (erf);
	[tilespmem:$0x1D420] =	vst v7  }
0x126: {  	v7 =	vpop (erf);
	[tilespmem:$0x1D430] =	vst v8  }
0x127: {  	v8 =	vpop (erf);
	[tilespmem:$0x1D440] =	vst v7  }
0x128: {  	s13 =	simm.s32 $0x0;
	v7 =	vpop (erf);
	[tilespmem:$0x1D450] =	vst v8  }
0x129: {  	v8 =	vmov s13;
	[tilespmem:$0x1D460] =	vst v7;
	v7 =	vpop (erf)  }
0x12a: {  	s10 =	simm.s32 $0x193C0;
	[tilespmem:$0x1D470] =	vst v7  }
0x12b: {  	v11 =	vld [tilespmem:s10+$0x30]  }
0x12c: {  	v14 =	vld [tilespmem:s10+$0x10]  }
0x12d: {  	v12 =	vld [tilespmem:s10+$0xFFFFFFC0]  }
0x12e: {  	v8 =	vld.idx.msk [tilespmem:v8+s31+$0x0], $0xffff  }
0x12f: {  	v16 =	vld [tilespmem:s10+$0xFFFFFFE0]  }
0x130: {  	v7 =	vld [tilespmem:s10+$0xFFFFFFF0]  }
0x131: {  	v9 =	vld [tilespmem:s10+$0x20]  }
0x132: {  	v10 =	vld [tilespmem:s10+$0xFFFFFFD0]  }
0x133: {  	v15 =	vmul.f32 v11, v8;
	v11 =	vld [tilespmem:s10+$0x0]  }
0x134: {  	v13 =	vmul.f32 v12, v8  }
0x135: {  	s11 =	simm.s32 $0x1;
	s12 =	simm.s32 $0x193C0;
	v12 =	vmul.f32 v16, v8;
	v14 =	vmul.f32 v14, v8  }
.LBB2_12:
0x136: {  	p1 =	sne.s32 s11, $0x7F  }
0x137: {  	v10 =	vmul.f32 v10, v8;
	v9 =	vmul.f32 v9, v8;
	[tilespmem:s10+$0x30] =	vst v15;
	s12 =	sadd.s32 $0x80, s12;
	s13 =	smov.u32 s11;
	s11 =	sadd.s32 $0x1, s11  }
0x138: {  	[tilespmem:s10+$0xFFFFFFC0] =	vst v13;
	v13 =	vmul.f32 v7, v8;
	v8 =	vmul.f32 v11, v8  }
0x139: {  	[tilespmem:s10+$0x10] =	vst v14  }
0x13a: {  	v11 =	vmov s13;
	[tilespmem:s10+$0xFFFFFFE0] =	vst v12  }
0x13b: {  	v7 =	vld [tilespmem:s12+$0xFFFFFFF0];
	[tilespmem:s10+$0xFFFFFFF0] =	vst v13  }
0x13c: {  	v12 =	vld [tilespmem:s12+$0x30];
	[tilespmem:s10+$0x0] =	vst v8  }
0x13d: {  	v14 =	vld [tilespmem:s12+$0x10];
	[tilespmem:s10+$0x20] =	vst v9  }
0x13e: {  	v13 =	vld [tilespmem:s12+$0xFFFFFFC0];
	[tilespmem:s10+$0xFFFFFFD0] =	vst v10;
	s10 =	smov.u32 s12  }
0x13f: {  	v8 =	vld.idx.msk [tilespmem:v11+s31+$0x0], $0xffff  }
0x140: {  	v16 =	vld [tilespmem:s12+$0xFFFFFFE0]  }
0x141: {  	v9 =	vld [tilespmem:s12+$0x20]  }
.Ltmp5:
0x142: {  	v10 =	vld [tilespmem:s12+$0xFFFFFFD0];
	(pc) =	sbr.rel @p1 .LBB2_12-.Ltmp5, $3  }
0x143: {  	v11 =	vld [tilespmem:s12+$0x0];
	_ =	sdelay $0x1  }
0x144: {  	v13 =	vmul.f32 v13, v8;
	v15 =	vmul.f32 v12, v8  }
0x145: {  	v14 =	vmul.f32 v14, v8;
	v12 =	vmul.f32 v16, v8  }
0x146: {  	[tilespmem:s10+$0x30] =	vst v15  }
0x147: {  	[tilespmem:s10+$0xFFFFFFC0] =	vst v13  }
0x148: {  	v7 =	vmul.f32 v7, v8;
	[tilespmem:s10+$0x10] =	vst v14  }
0x149: {  	v9 =	vmul.f32 v9, v8;
	[tilespmem:s10+$0xFFFFFFE0] =	vst v12  }
0x14a: {  	v11 =	vmul.f32 v11, v8;
	[tilespmem:s10+$0xFFFFFFF0] =	vst v7  }
0x14b: {  	v7 =	vmul.f32 v10, v8;
	[tilespmem:s10+$0x20] =	vst v9  }
0x14c: {  	[tilespmem:s10+$0x0] =	vst v11  }
0x14d: {  	[tilespmem:s10+$0xFFFFFFD0] =	vst v7  }
0x14e: {  	[hbm4b:s14+s25] =	stream.strided.scatter [tilespmem:s22], [sflag:$0x1], $0x4000, s26, s25, $0x38;
	[tilespmem:$0x1D480] =	vst v63  }
0x14f: {  	_ =	swait.ge [sflag:s23], $0x4000  }
0x150: {  	[sflag:s23] =	ssyncset.done $0x0  }
0x151: {  	[sflag:s23] =	ssyncadd.s32 $0xFFFFC000  }
0x152: {  	[tilespmem:s22], [sflag:$0x1] =	stream.linear.gather [spmem:s7], $0x4000, $0x38;
	[tilespmem:$0x1D480] =	vst v63  }
0x153: {  	_ =	swait.ge [sflag:s23], $0x4000  }
0x154: {  	[sflag:s23] =	ssyncset.done $0x0  }
0x155: {  	[sflag:s23] =	ssyncadd.s32 $0xFFFFC000  }
0x156: {  	[tilespmem:s0], [sflag:$0x1] =	stream.linear.gather [spmem:s15], $0x80, $0x38;
	[tilespmem:$0x1D480] =	vst v63  }
0x157: {  	_ =	swait.ge [sflag:s23], $0x80  }
0x158: {  	[sflag:s23] =	ssyncset.done $0x0  }
0x159: {  	[sflag:s23] =	ssyncadd.s32 $0xFFFFFF80  }
0x15a: {  	v7 =	vld [tilespmem:$0x1D380]  }
0x15b: {  	v8 =	vld [tilespmem:$0x1D390]  }
0x15c: {  	v9 =	vld [tilespmem:$0x1D3A0]  }
0x15d: {  	v10 =	vld [tilespmem:$0x1D3B0]  }
0x15e: {  	v11 =	vld [tilespmem:$0x1D3C0]  }
0x15f: {  	v12 =	vld [tilespmem:$0x1D3D0];
	v7 =	vmax.f32 v7, $1.000000000e+00  }
0x160: {  	(erf) = vrcp.f32 v7;
	v7 =	vmax.f32 v8, $1.000000000e+00;
	v8 =	vld [tilespmem:$0x1D3E0]  }
0x161: {  	(erf) = vrcp.f32 v7;
	v7 =	vmax.f32 v9, $1.000000000e+00;
	v9 =	vld [tilespmem:$0x1D3F0]  }
0x162: {  	(erf) = vrcp.f32 v7;
	v7 =	vmax.f32 v10, $1.000000000e+00  }
0x163: {  	(erf) = vrcp.f32 v7;
	v7 =	vmax.f32 v11, $1.000000000e+00  }
0x164: {  	(erf) = vrcp.f32 v7;
	v7 =	vmax.f32 v12, $1.000000000e+00  }
0x165: {  	(erf) = vrcp.f32 v7;
	v7 =	vmax.f32 v8, $1.000000000e+00  }
0x166: {  	(erf) = vrcp.f32 v7;
	v7 =	vmax.f32 v9, $1.000000000e+00  }
0x167: {  	(erf) = vrcp.f32 v7;
	_ =	sdelay $0x1  }
0x168: {  	v7 =	vpop (erf)  }
0x169: {  	v8 =	vpop (erf);
	[tilespmem:$0x1D400] =	vst v7  }
0x16a: {  	v7 =	vpop (erf);
	[tilespmem:$0x1D410] =	vst v8  }
0x16b: {  	v8 =	vpop (erf);
	[tilespmem:$0x1D420] =	vst v7  }
0x16c: {  	v7 =	vpop (erf);
	[tilespmem:$0x1D430] =	vst v8  }
0x16d: {  	v8 =	vpop (erf);
	[tilespmem:$0x1D440] =	vst v7  }
0x16e: {  	s13 =	simm.s32 $0x0;
	v7 =	vpop (erf);
	[tilespmem:$0x1D450] =	vst v8  }
0x16f: {  	v8 =	vmov s13;
	[tilespmem:$0x1D460] =	vst v7;
	v7 =	vpop (erf)  }
0x170: {  	s10 =	simm.s32 $0x193C0;
	[tilespmem:$0x1D470] =	vst v7  }
0x171: {  	v11 =	vld [tilespmem:s10+$0x30]  }
0x172: {  	v14 =	vld [tilespmem:s10+$0x10]  }
0x173: {  	v12 =	vld [tilespmem:s10+$0xFFFFFFC0]  }
0x174: {  	v8 =	vld.idx.msk [tilespmem:v8+s31+$0x0], $0xffff  }
0x175: {  	v16 =	vld [tilespmem:s10+$0xFFFFFFE0]  }
0x176: {  	v7 =	vld [tilespmem:s10+$0xFFFFFFF0]  }
0x177: {  	v9 =	vld [tilespmem:s10+$0x20]  }
0x178: {  	v10 =	vld [tilespmem:s10+$0xFFFFFFD0]  }
0x179: {  	v15 =	vmul.f32 v11, v8;
	v11 =	vld [tilespmem:s10+$0x0]  }
0x17a: {  	v13 =	vmul.f32 v12, v8  }
0x17b: {  	s11 =	simm.s32 $0x1;
	s12 =	simm.s32 $0x193C0;
	v12 =	vmul.f32 v16, v8;
	v14 =	vmul.f32 v14, v8  }
.LBB2_14:
0x17c: {  	p1 =	sne.s32 s11, $0x7F  }
0x17d: {  	v10 =	vmul.f32 v10, v8;
	v9 =	vmul.f32 v9, v8;
	[tilespmem:s10+$0x30] =	vst v15;
	s12 =	sadd.s32 $0x80, s12;
	s13 =	smov.u32 s11;
	s11 =	sadd.s32 $0x1, s11  }
0x17e: {  	[tilespmem:s10+$0xFFFFFFC0] =	vst v13;
	v13 =	vmul.f32 v7, v8;
	v8 =	vmul.f32 v11, v8  }
0x17f: {  	[tilespmem:s10+$0x10] =	vst v14  }
0x180: {  	v11 =	vmov s13;
	[tilespmem:s10+$0xFFFFFFE0] =	vst v12  }
0x181: {  	v7 =	vld [tilespmem:s12+$0xFFFFFFF0];
	[tilespmem:s10+$0xFFFFFFF0] =	vst v13  }
0x182: {  	v12 =	vld [tilespmem:s12+$0x30];
	[tilespmem:s10+$0x0] =	vst v8  }
0x183: {  	v14 =	vld [tilespmem:s12+$0x10];
	[tilespmem:s10+$0x20] =	vst v9  }
0x184: {  	v13 =	vld [tilespmem:s12+$0xFFFFFFC0];
	[tilespmem:s10+$0xFFFFFFD0] =	vst v10;
	s10 =	smov.u32 s12  }
0x185: {  	v8 =	vld.idx.msk [tilespmem:v11+s31+$0x0], $0xffff  }
0x186: {  	v16 =	vld [tilespmem:s12+$0xFFFFFFE0]  }
0x187: {  	v9 =	vld [tilespmem:s12+$0x20]  }
.Ltmp6:
0x188: {  	v10 =	vld [tilespmem:s12+$0xFFFFFFD0];
	(pc) =	sbr.rel @p1 .LBB2_14-.Ltmp6, $3  }
0x189: {  	v11 =	vld [tilespmem:s12+$0x0];
	_ =	sdelay $0x1  }
0x18a: {  	v13 =	vmul.f32 v13, v8;
	v15 =	vmul.f32 v12, v8  }
0x18b: {  	v14 =	vmul.f32 v14, v8;
	v12 =	vmul.f32 v16, v8  }
0x18c: {  	[tilespmem:s10+$0x30] =	vst v15  }
0x18d: {  	[tilespmem:s10+$0xFFFFFFC0] =	vst v13  }
0x18e: {  	v7 =	vmul.f32 v7, v8;
	[tilespmem:s10+$0x10] =	vst v14  }
0x18f: {  	v9 =	vmul.f32 v9, v8;
	[tilespmem:s10+$0xFFFFFFE0] =	vst v12  }
0x190: {  	v11 =	vmul.f32 v11, v8;
	[tilespmem:s10+$0xFFFFFFF0] =	vst v7  }
0x191: {  	v7 =	vmul.f32 v10, v8;
	[tilespmem:s10+$0x20] =	vst v9  }
0x192: {  	[tilespmem:s10+$0x0] =	vst v11  }
0x193: {  	[tilespmem:s10+$0xFFFFFFD0] =	vst v7  }
0x194: {  	[hbm4b:s16+s25] =	stream.strided.scatter [tilespmem:s22], [sflag:$0x1], $0x4000, s26, s25, $0x38;
	[tilespmem:$0x1D480] =	vst v63  }
0x195: {  	_ =	swait.ge [sflag:s23], $0x4000  }
0x196: {  	[sflag:s23] =	ssyncset.done $0x0  }
0x197: {  	[sflag:s23] =	ssyncadd.s32 $0xFFFFC000  }
0x198: {  	[tilespmem:s22], [sflag:$0x1] =	stream.linear.gather [spmem:s8], $0x4000, $0x38;
	[tilespmem:$0x1D480] =	vst v63  }
0x199: {  	_ =	swait.ge [sflag:s23], $0x4000  }
0x19a: {  	[sflag:s23] =	ssyncset.done $0x0  }
0x19b: {  	[sflag:s23] =	ssyncadd.s32 $0xFFFFC000  }
0x19c: {  	[tilespmem:s0], [sflag:$0x1] =	stream.linear.gather [spmem:s18], $0x80, $0x38;
	[tilespmem:$0x1D480] =	vst v63  }
0x19d: {  	_ =	swait.ge [sflag:s23], $0x80  }
0x19e: {  	[sflag:s23] =	ssyncset.done $0x0  }
0x19f: {  	[sflag:s23] =	ssyncadd.s32 $0xFFFFFF80  }
0x1a0: {  	v7 =	vld [tilespmem:$0x1D380]  }
0x1a1: {  	v8 =	vld [tilespmem:$0x1D390]  }
0x1a2: {  	v9 =	vld [tilespmem:$0x1D3A0]  }
0x1a3: {  	v10 =	vld [tilespmem:$0x1D3B0]  }
0x1a4: {  	v11 =	vld [tilespmem:$0x1D3C0]  }
0x1a5: {  	v12 =	vld [tilespmem:$0x1D3D0];
	v7 =	vmax.f32 v7, $1.000000000e+00  }
0x1a6: {  	(erf) = vrcp.f32 v7;
	v7 =	vmax.f32 v8, $1.000000000e+00;
	v8 =	vld [tilespmem:$0x1D3E0]  }
0x1a7: {  	(erf) = vrcp.f32 v7;
	v7 =	vmax.f32 v9, $1.000000000e+00;
	v9 =	vld [tilespmem:$0x1D3F0]  }
0x1a8: {  	(erf) = vrcp.f32 v7;
	v7 =	vmax.f32 v10, $1.000000000e+00  }
0x1a9: {  	(erf) = vrcp.f32 v7;
	v7 =	vmax.f32 v11, $1.000000000e+00  }
0x1aa: {  	(erf) = vrcp.f32 v7;
	v7 =	vmax.f32 v12, $1.000000000e+00  }
0x1ab: {  	(erf) = vrcp.f32 v7;
	v7 =	vmax.f32 v8, $1.000000000e+00  }
0x1ac: {  	(erf) = vrcp.f32 v7;
	v7 =	vmax.f32 v9, $1.000000000e+00  }
0x1ad: {  	(erf) = vrcp.f32 v7;
	_ =	sdelay $0x1  }
0x1ae: {  	v7 =	vpop (erf)  }
0x1af: {  	v8 =	vpop (erf);
	[tilespmem:$0x1D400] =	vst v7  }
0x1b0: {  	v7 =	vpop (erf);
	[tilespmem:$0x1D410] =	vst v8  }
0x1b1: {  	v8 =	vpop (erf);
	[tilespmem:$0x1D420] =	vst v7  }
0x1b2: {  	v7 =	vpop (erf);
	[tilespmem:$0x1D430] =	vst v8  }
0x1b3: {  	v8 =	vpop (erf);
	[tilespmem:$0x1D440] =	vst v7  }
0x1b4: {  	s13 =	simm.s32 $0x0;
	v7 =	vpop (erf);
	[tilespmem:$0x1D450] =	vst v8  }
0x1b5: {  	v8 =	vmov s13;
	[tilespmem:$0x1D460] =	vst v7;
	v7 =	vpop (erf)  }
0x1b6: {  	s10 =	simm.s32 $0x193C0;
	[tilespmem:$0x1D470] =	vst v7  }
0x1b7: {  	v11 =	vld [tilespmem:s10+$0x30]  }
0x1b8: {  	v14 =	vld [tilespmem:s10+$0x10]  }
0x1b9: {  	v12 =	vld [tilespmem:s10+$0xFFFFFFC0]  }
0x1ba: {  	v8 =	vld.idx.msk [tilespmem:v8+s31+$0x0], $0xffff  }
0x1bb: {  	v16 =	vld [tilespmem:s10+$0xFFFFFFE0]  }
0x1bc: {  	v7 =	vld [tilespmem:s10+$0xFFFFFFF0]  }
0x1bd: {  	v9 =	vld [tilespmem:s10+$0x20]  }
0x1be: {  	v10 =	vld [tilespmem:s10+$0xFFFFFFD0]  }
0x1bf: {  	v15 =	vmul.f32 v11, v8;
	v11 =	vld [tilespmem:s10+$0x0]  }
0x1c0: {  	v13 =	vmul.f32 v12, v8  }
0x1c1: {  	s11 =	simm.s32 $0x1;
	s12 =	simm.s32 $0x193C0;
	v12 =	vmul.f32 v16, v8;
	v14 =	vmul.f32 v14, v8  }
.LBB2_16:
0x1c2: {  	p1 =	sne.s32 s11, $0x7F  }
0x1c3: {  	v10 =	vmul.f32 v10, v8;
	v9 =	vmul.f32 v9, v8;
	[tilespmem:s10+$0x30] =	vst v15;
	s12 =	sadd.s32 $0x80, s12;
	s13 =	smov.u32 s11;
	s11 =	sadd.s32 $0x1, s11  }
0x1c4: {  	[tilespmem:s10+$0xFFFFFFC0] =	vst v13;
	v13 =	vmul.f32 v7, v8;
	v8 =	vmul.f32 v11, v8  }
0x1c5: {  	[tilespmem:s10+$0x10] =	vst v14  }
0x1c6: {  	v11 =	vmov s13;
	[tilespmem:s10+$0xFFFFFFE0] =	vst v12  }
0x1c7: {  	v7 =	vld [tilespmem:s12+$0xFFFFFFF0];
	[tilespmem:s10+$0xFFFFFFF0] =	vst v13  }
0x1c8: {  	v12 =	vld [tilespmem:s12+$0x30];
	[tilespmem:s10+$0x0] =	vst v8  }
0x1c9: {  	v14 =	vld [tilespmem:s12+$0x10];
	[tilespmem:s10+$0x20] =	vst v9  }
0x1ca: {  	v13 =	vld [tilespmem:s12+$0xFFFFFFC0];
	[tilespmem:s10+$0xFFFFFFD0] =	vst v10;
	s10 =	smov.u32 s12  }
0x1cb: {  	v8 =	vld.idx.msk [tilespmem:v11+s31+$0x0], $0xffff  }
0x1cc: {  	v16 =	vld [tilespmem:s12+$0xFFFFFFE0]  }
0x1cd: {  	v9 =	vld [tilespmem:s12+$0x20]  }
.Ltmp7:
0x1ce: {  	v10 =	vld [tilespmem:s12+$0xFFFFFFD0];
	(pc) =	sbr.rel @p1 .LBB2_16-.Ltmp7, $3  }
0x1cf: {  	v11 =	vld [tilespmem:s12+$0x0];
	_ =	sdelay $0x1  }
0x1d0: {  	v13 =	vmul.f32 v13, v8;
	v15 =	vmul.f32 v12, v8  }
0x1d1: {  	v14 =	vmul.f32 v14, v8;
	v12 =	vmul.f32 v16, v8  }
0x1d2: {  	[tilespmem:s10+$0x30] =	vst v15  }
0x1d3: {  	[tilespmem:s10+$0xFFFFFFC0] =	vst v13  }
0x1d4: {  	v7 =	vmul.f32 v7, v8;
	[tilespmem:s10+$0x10] =	vst v14  }
0x1d5: {  	v9 =	vmul.f32 v9, v8;
	[tilespmem:s10+$0xFFFFFFE0] =	vst v12  }
0x1d6: {  	v11 =	vmul.f32 v11, v8;
	[tilespmem:s10+$0xFFFFFFF0] =	vst v7  }
0x1d7: {  	s2 =	sadd.s32 $0x1, s2;
	v7 =	vmul.f32 v10, v8;
	[tilespmem:s10+$0x20] =	vst v9  }
0x1d8: {  	p1 =	sne.s32 s2, s19;
	[tilespmem:s10+$0x0] =	vst v11  }
.Ltmp8:
0x1d9: {  	[tilespmem:s10+$0xFFFFFFD0] =	vst v7;
	(pc) =	sbr.rel @p1 .LBB2_1-.Ltmp8, $4  }
0x1da: {  	[hbm4b:s17+s25] =	stream.strided.scatter [tilespmem:s22], [sflag:$0x1], $0x4000, s26, s25, $0x38;
	[tilespmem:$0x1D480] =	vst v63  }
0x1db: {  	_ =	swait.ge [sflag:s23], $0x4000  }
0x1dc: {  	[sflag:s23] =	ssyncset.done $0x0  }
0x1dd: {  	[sflag:s23] =	ssyncadd.s32 $0xFFFFC000  }
0x1de: {  	_ =	sfence.sel $0x180000  }
0x1df: {  	[bflag:$0x0] =	sbarrier.arrive $0xFFFF  }
0x1e0: {  	_ =	strace $0x90000047  }
0x1e1: {  	[bflag:$0x2] =	sbarrier.arrive $0xFFFF  }
0x1e2: {  	s0 =	rddreg [dreg:$0x5]  }
0x1e3: {  	s0 =	sadd.s32 @!p0 $0x100000, s0  }
0x1e4: {  	[sflag:s0] =	ssyncadd.tile.s32 @!p0 $0x1;
	_ =	shalt  }
.Lfunc_end2:
_tile_overlayer_lowered:
.L_overlay_start_2:
0x1e5: {  	(tag) =	ssettag $0x2  }
0x1e6: {  	s0 =	rddreg [dreg:$0x0];
	s2 =	stileid.u32  }
0x1e7: {  	s1 =	rddreg [dreg:$0x1];
	p0 =	sne.s32 s2, $0x0  }
0x1e8: {  	s3 =	rddreg [dreg:$0x2];
	[bflag:$0x3] =	sbarrier.arrive $0xFFFF;
	s2 =	simm.s32 @!p0 $0x1C01  }
0x1e9: {  	[timem:s3], [sflag:s2] =	dma.local @!p0 [hbm:s0], s1  }
0x1ea: {  	s0 =	simm.s32 @!p0 $0x1  }
0x1eb: {  	_ =	swait.ge @!p0 [sflag:s0], s1  }
0x1ec: {  	s1 =	ssub.s32 @!p0 $0x0, s1;
	[sflag:s0] =	ssyncset.done @!p0 $0x0  }
0x1ed: {  	[sflag:s0] =	ssyncadd.s32 @!p0 s1  }
0x1ee: {  	[bflag:$0x3] =	sbarrier.arrive $0xFFFF  }
0x1ef: {  	_ =	shalt  }

</sc_bundles>
